<compile_context>
chip_gen: v7x
topology: tpu7x:2x2x1
jax: 0.10.2.dev20260603
libtpu: 0.0.44.dev20260713+nightly
codegen_flags: <defaults>
</compile_context>

<pallas_src>
import functools

import jax
import jax.numpy as jnp
from jax import lax
from jax.experimental import pallas as pl
from jax.experimental.pallas import tpu as pltpu
from jax.experimental.pallas import tpu_sc as plsc

_RES = 16384
_LEAK = 0.6
_BIAS = 1.6
_NC = 2
_NS = 16
_NW = _NC * _NS
_CHUNK = 4096
_NBUF = 4
_R0, _R1 = 21, 21


def _sc_partials(rows, cols, vals, res_state):
    nnz = rows.shape[0]
    nnz16 = (nnz // 16) * 16
    n_chunks_total = nnz16 // _CHUNK
    rem = nnz16 - n_chunks_total * _CHUNK
    assert nnz16 >= _CHUNK

    c0_total = (n_chunks_total * _R0) // (_R0 + _R1)
    c1_total = n_chunks_total - c0_total
    q0, r0 = divmod(c0_total, _NS)
    q1, r1 = divmod(c1_total, _NS)
    assert min(q0, q1) >= _NBUF

    mesh = plsc.VectorSubcoreMesh(core_axis_name="c", subcore_axis_name="s")

    @functools.partial(
        pl.kernel,
        out_type=jax.ShapeDtypeStruct((_NW, _RES), jnp.float32),
        mesh=mesh,
        scratch_types=[
            pltpu.VMEM((_RES,), jnp.float32),
            pltpu.VMEM((_RES,), jnp.float32),
            pltpu.VMEM((_NBUF, _CHUNK), jnp.int32),
            pltpu.VMEM((_NBUF, _CHUNK), jnp.int32),
            pltpu.VMEM((_NBUF, _CHUNK), jnp.float32),
            pltpu.VMEM((max(rem, 16),), jnp.int32),
            pltpu.VMEM((max(rem, 16),), jnp.int32),
            pltpu.VMEM((max(rem, 16),), jnp.float32),
            pltpu.SemaphoreType.DMA((_NBUF,)),
            pltpu.SemaphoreType.DMA,
        ],
        compiler_params=pltpu.CompilerParams(needs_layout_passes=False),
    )
    def body(rows_h, cols_h, vals_h, res_h, out_h,
             res_v, acc_v, rbuf, cbuf, vbuf, rrem_v, crem_v, vrem_v,
             sems, res_sem):
        cid = lax.axis_index("c")
        sid = lax.axis_index("s")
        wid = sid * _NC + cid
        is_c0 = cid == 0
        is_mopup = is_c0 & (sid == _NS - 1)
        n_chunks = jnp.where(is_c0, q0 + (sid < r0), q1 + (sid < r1))
        start_chunk = jnp.where(
            is_c0,
            sid * q0 + jnp.minimum(sid, r0),
            c0_total + sid * q1 + jnp.minimum(sid, r1),
        )
        base = start_chunk * _CHUNK

        def issue(ci, slot):
            off = base + ci * _CHUNK
            pltpu.async_copy(rows_h.at[pl.ds(off, _CHUNK)], rbuf.at[slot], sems.at[slot])
            pltpu.async_copy(cols_h.at[pl.ds(off, _CHUNK)], cbuf.at[slot], sems.at[slot])
            pltpu.async_copy(vals_h.at[pl.ds(off, _CHUNK)], vbuf.at[slot], sems.at[slot])

        def drain(slot):
            pltpu.make_async_copy(rows_h.at[pl.ds(0, _CHUNK)], rbuf.at[slot], sems.at[slot]).wait()
            pltpu.make_async_copy(cols_h.at[pl.ds(0, _CHUNK)], cbuf.at[slot], sems.at[slot]).wait()
            pltpu.make_async_copy(vals_h.at[pl.ds(0, _CHUNK)], vbuf.at[slot], sems.at[slot]).wait()

        def gather_scatter(slot, j):
            sl = pl.ds(j * 16, 16)
            g = plsc.load_gather(res_v, [cbuf[slot, sl]])
            plsc.addupdate_scatter(acc_v, [rbuf[slot, sl]], vbuf[slot, sl] * g)

        for b in range(_NBUF):
            issue(b, b)
        res_copy = pltpu.async_copy(res_h, res_v, res_sem)

        zeros = jnp.zeros((16,), jnp.float32)

        @plsc.parallel_loop(0, _RES // 16, unroll=8)
        def _(i):
            acc_v[pl.ds(i * 16, 16)] = zeros

        res_copy.wait()

        def cbody(ci, _):
            slot = lax.rem(ci, _NBUF)
            drain(slot)

            @plsc.parallel_loop(0, _CHUNK // 16, unroll=8)
            def _(j):
                gather_scatter(slot, j)

            @pl.when(ci + _NBUF < n_chunks)
            def _():
                issue(ci + _NBUF, slot)

            return ()

        lax.fori_loop(0, n_chunks, cbody, ())

        if rem > 0:
            roff = pl.multiple_of(jnp.where(sid >= 0, nnz16 - rem, 0), _CHUNK)
            pltpu.async_copy(rows_h.at[pl.ds(roff, rem)], rrem_v, res_sem).wait()
            pltpu.async_copy(cols_h.at[pl.ds(roff, rem)], crem_v, res_sem).wait()
            pltpu.async_copy(vals_h.at[pl.ds(roff, rem)], vrem_v, res_sem).wait()

            @pl.when(is_mopup)
            def _():
                @plsc.parallel_loop(0, rem // 16, unroll=4)
                def _(j):
                    sl = pl.ds(j * 16, 16)
                    g = plsc.load_gather(res_v, [crem_v[sl]])
                    plsc.addupdate_scatter(acc_v, [rrem_v[sl]], vrem_v[sl] * g)

        pltpu.sync_copy(acc_v, out_h.at[wid])

    return body(rows, cols, vals, res_state)


def _reduce_epilogue(partials, proj_vars, res_state, tail_rows, tail_contrib):
    n_tail = tail_rows.shape[0]

    def body(tr_ref, tc_ref, p_ref, pv_ref, rs_ref, o_ref):
        s = jnp.sum(p_ref[...], axis=0)
        iota = lax.broadcasted_iota(jnp.int32, (_RES,), 0)
        for i in range(n_tail):
            s = s + jnp.where(iota == tr_ref[i], tc_ref[i], 0.0)
        act = jnp.tanh(s + pv_ref[...] + _BIAS)
        o_ref[...] = _LEAK * act + (1.0 - _LEAK) * rs_ref[...]

    return pl.pallas_call(
        body,
        out_shape=jax.ShapeDtypeStruct((_RES,), jnp.float32),
        in_specs=[
            pl.BlockSpec(memory_space=pltpu.SMEM),
            pl.BlockSpec(memory_space=pltpu.SMEM),
            pl.BlockSpec(memory_space=pltpu.VMEM),
            pl.BlockSpec(memory_space=pltpu.VMEM),
            pl.BlockSpec(memory_space=pltpu.VMEM),
        ],
    )(tail_rows, tail_contrib, partials, proj_vars, res_state)


def kernel(proj_vars, res_state, rows, cols, vals):
    nnz = rows.shape[0]
    nnz16 = (nnz // 16) * 16
    tail = nnz - nnz16
    rows32 = rows.astype(jnp.int32)
    cols32 = cols.astype(jnp.int32)
    vals32 = vals.astype(jnp.float32)
    res32 = res_state.astype(jnp.float32)
    if tail > 0:
        tail_rows = lax.slice(rows32, (nnz16,), (nnz,))
        tail_cols = lax.slice(cols32, (nnz16,), (nnz,))
        tail_vals = lax.slice(vals32, (nnz16,), (nnz,))
        tail_contrib = tail_vals * jnp.take(res32, tail_cols)
    else:
        tail_rows = jnp.zeros((1,), jnp.int32)
        tail_contrib = jnp.zeros((1,), jnp.float32)
    partials = _sc_partials(rows32, cols32, vals32, res32)
    return _reduce_epilogue(partials, proj_vars.astype(jnp.float32), res32,
                            tail_rows, tail_contrib)

# --- scband reference (transcript-rebuilt; emitter-appended) ---
"""Pipeline reference for scband-esndriver-66640712565001 (READ-ONLY COPY).

The authoritative reference and input builder live on the scoring server;
editing this copy changes nothing except your own understanding.
"""

import jax, jax.numpy as jnp
import numpy as np

RES_DIM = 16384
DENSITY = 0.01
NNZ = int(RES_DIM * RES_DIM * DENSITY)
LEAK = 0.6
BIAS = 1.6
SPEC_RAD = 0.8


def setup_inputs(seed: int = 0) -> dict:
    key = jax.random.key(seed)
    k1, k2, k3, k4, k5 = jax.random.split(key, 5)
    proj_vars = jax.random.normal(k1, (RES_DIM,), dtype=jnp.float32)
    res_state = jax.random.normal(k2, (RES_DIM,), dtype=jnp.float32)
    # Sparse reservoir matrix wr in COO form (materialized param, sized per init_kwargs)
    rows = jax.random.randint(k3, (NNZ,), 0, RES_DIM)
    cols = jax.random.randint(k4, (NNZ,), 0, RES_DIM)
    vals = jax.random.normal(k5, (NNZ,), dtype=jnp.float32)
    # Approximate the spectral-radius rescaling wr * (spec_rad / eig_max):
    # for a sparse Gaussian matrix, eig_max ~ sqrt(n * density), so rescale values.
    vals = vals * (SPEC_RAD / jnp.sqrt(RES_DIM * DENSITY)).astype(jnp.float32)
    return {
        "proj_vars": proj_vars,
        "res_state": res_state,
        "rows": rows,
        "cols": cols,
        "vals": vals,
    }


def reference(proj_vars, res_state, rows, cols, vals):
    # wr @ res_state as a sparse COO matvec: gather + multiply + scatter-add
    gathered = vals * jnp.take(res_state, cols)
    matvec = jax.ops.segment_sum(gathered, rows, num_segments=RES_DIM)
    res_next = jnp.tanh(matvec + proj_vars + BIAS * jnp.ones(RES_DIM, dtype=proj_vars.dtype))
    res_next = LEAK * res_next + (1.0 - LEAK) * res_state
    return res_next

if __name__ == "__main__":
    import jax
    _d = setup_inputs()
    print(jax.jit(kernel)(*tuple(_d.values())))

</pallas_src>

<mosaic_0001>
#map = affine_map<(d0, d1) -> (0)>
#map1 = affine_map<(d0, d1) -> (0, 0)>
module attributes {stable_mosaic.version = 14 : i64} {
  func.func @body(%arg0: i32, %arg1: i32, %arg2: memref<2684354xi32, #tpu.memory_space<hbm>>, %arg3: memref<2684354xi32, #tpu.memory_space<hbm>>, %arg4: memref<2684354xf32, #tpu.memory_space<hbm>>, %arg5: memref<16384xf32, #tpu.memory_space<hbm>>, %arg6: memref<32x16384xf32, #tpu.memory_space<hbm>>, %arg7: memref<16384xf32, #tpu.memory_space<vmem>>, %arg8: memref<16384xf32, #tpu.memory_space<vmem>>, %arg9: memref<4x4096xi32, #tpu.memory_space<vmem>>, %arg10: memref<4x4096xi32, #tpu.memory_space<vmem>>, %arg11: memref<4x4096xf32, #tpu.memory_space<vmem>>, %arg12: memref<1472xi32, #tpu.memory_space<vmem>>, %arg13: memref<1472xi32, #tpu.memory_space<vmem>>, %arg14: memref<1472xf32, #tpu.memory_space<vmem>>, %arg15: memref<4x!tpu.dma_semaphore, #tpu.memory_space<semaphore_mem>>, %arg16: memref<!tpu.dma_semaphore, #tpu.memory_space<semaphore_mem>>) attributes {dimension_semantics = [#tpu.dimension_semantics<core_parallel>, #tpu.dimension_semantics<subcore_parallel>], iteration_bounds = array<i64: 2, 16>, scalar_prefetch = 0 : i64, scratch_operands = 10 : i64, tpu.core_type = #tpu.core_type<sc_vector_subcore>, window_params = [{transform_indices = #map}, {transform_indices = #map}, {transform_indices = #map}, {transform_indices = #map}, {transform_indices = #map1}]} {
    %mul3A = arith.constant 2 : i32
    %mul3A_0 = arith.muli %arg1, %mul3A : i32
    %add3A = arith.addi %mul3A_0, %arg0 : i32
    %eq3A = arith.constant 0 : i32
    %eq3A_1 = arith.cmpi eq, %arg0, %eq3A : i32
    %eq3A_2 = arith.constant 15 : i32
    %eq3A_3 = arith.cmpi eq, %arg1, %eq3A_2 : i32
    %and3A = arith.andi %eq3A_1, %eq3A_3 : i1
    %lt3A = arith.constant 7 : i32
    %lt3A_4 = arith.cmpi slt, %arg1, %lt3A : i32
    %convert_element_type3A = arith.extui %lt3A_4 : i1 to i32
    %add3A_5 = arith.constant 20 : i32
    %add3A_6 = arith.addi %add3A_5, %convert_element_type3A : i32
    %lt3A_7 = arith.constant 8 : i32
    %lt3A_8 = arith.cmpi slt, %arg1, %lt3A_7 : i32
    %convert_element_type3A_9 = arith.extui %lt3A_8 : i1 to i32
    %add3A_10 = arith.constant 20 : i32
    %add3A_11 = arith.addi %add3A_10, %convert_element_type3A_9 : i32
    %select_n3A = arith.select %eq3A_1, %add3A_6, %add3A_11 : i32
    %mul3A_12 = arith.constant 20 : i32
    %mul3A_13 = arith.muli %arg1, %mul3A_12 : i32
    %min3A = arith.constant 7 : i32
    %min3A_14 = arith.minsi %arg1, %min3A : i32
    %add3A_15 = arith.addi %mul3A_13, %min3A_14 : i32
    %mul3A_16 = arith.constant 20 : i32
    %mul3A_17 = arith.muli %arg1, %mul3A_16 : i32
    %add3A_18 = arith.constant 327 : i32
    %add3A_19 = arith.addi %add3A_18, %mul3A_17 : i32
    %min3A_20 = arith.constant 8 : i32
    %min3A_21 = arith.minsi %arg1, %min3A_20 : i32
    %add3A_22 = arith.addi %add3A_19, %min3A_21 : i32
    %select_n3A_23 = arith.select %eq3A_1, %add3A_15, %add3A_22 : i32
    %mul3A_24 = arith.constant 4096 : i32
    %mul3A_25 = arith.muli %select_n3A_23, %mul3A_24 : i32
    %add3A_26 = arith.constant 0 : i32
    %add3A_27 = arith.addi %mul3A_25, %add3A_26 : i32
    %dma_start3A = arith.constant 0 : i32
    %dma_start3A_28 = arith.constant 0 : i32
    %dma_start3A_29 = arith.constant 0 : i32
    %dma_start3A_30 = tpu.memref_slice %arg9[%dma_start3A, %dma_start3A_29] : memref<4x4096xi32, #tpu.memory_space<vmem>> -> memref<1x4096xi32, #tpu.memory_space<vmem>>
    %dma_start3A_31 = tpu.memref_squeeze %dma_start3A_30 : memref<1x4096xi32, #tpu.memory_space<vmem>> -> memref<4096xi32, #tpu.memory_space<vmem>>
    %dma_start3A_32 = tpu.memref_slice %arg2[%add3A_27] : memref<2684354xi32, #tpu.memory_space<hbm>> -> memref<4096xi32, #tpu.memory_space<hbm>>
    %dma_start3A_33 = tpu.memref_slice %arg15[%dma_start3A_28] : memref<4x!tpu.dma_semaphore, #tpu.memory_space<semaphore_mem>> -> memref<1x!tpu.dma_semaphore, #tpu.memory_space<semaphore_mem>>
    %dma_start3A_34 = tpu.memref_squeeze %dma_start3A_33 : memref<1x!tpu.dma_semaphore, #tpu.memory_space<semaphore_mem>> -> memref<!tpu.dma_semaphore, #tpu.memory_space<semaphore_mem>>
    %dma_start3A_35 = arith.constant 0 : i32
    %dma_start3A_36 = tpu.memref_slice %arg9[%dma_start3A, %dma_start3A_35] : memref<4x4096xi32, #tpu.memory_space<vmem>> -> memref<1x4096xi32, #tpu.memory_space<vmem>>
    %dma_start3A_37 = tpu.memref_squeeze %dma_start3A_36 : memref<1x4096xi32, #tpu.memory_space<vmem>> -> memref<4096xi32, #tpu.memory_space<vmem>>
    %dma_start3A_38 = tpu.memref_slice %arg2[%add3A_27] : memref<2684354xi32, #tpu.memory_space<hbm>> -> memref<4096xi32, #tpu.memory_space<hbm>>
    tpu.enqueue_dma source(%dma_start3A_38 : memref<4096xi32, #tpu.memory_space<hbm>>) target(%dma_start3A_37 : memref<4096xi32, #tpu.memory_space<vmem>>) target_semaphore(%dma_start3A_34 : memref<!tpu.dma_semaphore, #tpu.memory_space<semaphore_mem>>)
    %dma_start3A_39 = arith.constant 0 : i32
    %dma_start3A_40 = arith.constant 0 : i32
    %dma_start3A_41 = arith.constant 0 : i32
    %dma_start3A_42 = tpu.memref_slice %arg10[%dma_start3A_39, %dma_start3A_41] : memref<4x4096xi32, #tpu.memory_space<vmem>> -> memref<1x4096xi32, #tpu.memory_space<vmem>>
    %dma_start3A_43 = tpu.memref_squeeze %dma_start3A_42 : memref<1x4096xi32, #tpu.memory_space<vmem>> -> memref<4096xi32, #tpu.memory_space<vmem>>
    %dma_start3A_44 = tpu.memref_slice %arg3[%add3A_27] : memref<2684354xi32, #tpu.memory_space<hbm>> -> memref<4096xi32, #tpu.memory_space<hbm>>
    %dma_start3A_45 = tpu.memref_slice %arg15[%dma_start3A_40] : memref<4x!tpu.dma_semaphore, #tpu.memory_space<semaphore_mem>> -> memref<1x!tpu.dma_semaphore, #tpu.memory_space<semaphore_mem>>
    %dma_start3A_46 = tpu.memref_squeeze %dma_start3A_45 : memref<1x!tpu.dma_semaphore, #tpu.memory_space<semaphore_mem>> -> memref<!tpu.dma_semaphore, #tpu.memory_space<semaphore_mem>>
    %dma_start3A_47 = arith.constant 0 : i32
    %dma_start3A_48 = tpu.memref_slice %arg10[%dma_start3A_39, %dma_start3A_47] : memref<4x4096xi32, #tpu.memory_space<vmem>> -> memref<1x4096xi32, #tpu.memory_space<vmem>>
    %dma_start3A_49 = tpu.memref_squeeze %dma_start3A_48 : memref<1x4096xi32, #tpu.memory_space<vmem>> -> memref<4096xi32, #tpu.memory_space<vmem>>
    %dma_start3A_50 = tpu.memref_slice %arg3[%add3A_27] : memref<2684354xi32, #tpu.memory_space<hbm>> -> memref<4096xi32, #tpu.memory_space<hbm>>
    tpu.enqueue_dma source(%dma_start3A_50 : memref<4096xi32, #tpu.memory_space<hbm>>) target(%dma_start3A_49 : memref<4096xi32, #tpu.memory_space<vmem>>) target_semaphore(%dma_start3A_46 : memref<!tpu.dma_semaphore, #tpu.memory_space<semaphore_mem>>)
    %dma_start3A_51 = arith.constant 0 : i32
    %dma_start3A_52 = arith.constant 0 : i32
    %dma_start3A_53 = arith.constant 0 : i32
    %dma_start3A_54 = tpu.memref_slice %arg11[%dma_start3A_51, %dma_start3A_53] : memref<4x4096xf32, #tpu.memory_space<vmem>> -> memref<1x4096xf32, #tpu.memory_space<vmem>>
    %dma_start3A_55 = tpu.memref_squeeze %dma_start3A_54 : memref<1x4096xf32, #tpu.memory_space<vmem>> -> memref<4096xf32, #tpu.memory_space<vmem>>
    %dma_start3A_56 = tpu.memref_slice %arg4[%add3A_27] : memref<2684354xf32, #tpu.memory_space<hbm>> -> memref<4096xf32, #tpu.memory_space<hbm>>
    %dma_start3A_57 = tpu.memref_slice %arg15[%dma_start3A_52] : memref<4x!tpu.dma_semaphore, #tpu.memory_space<semaphore_mem>> -> memref<1x!tpu.dma_semaphore, #tpu.memory_space<semaphore_mem>>
    %dma_start3A_58 = tpu.memref_squeeze %dma_start3A_57 : memref<1x!tpu.dma_semaphore, #tpu.memory_space<semaphore_mem>> -> memref<!tpu.dma_semaphore, #tpu.memory_space<semaphore_mem>>
    %dma_start3A_59 = arith.constant 0 : i32
    %dma_start3A_60 = tpu.memref_slice %arg11[%dma_start3A_51, %dma_start3A_59] : memref<4x4096xf32, #tpu.memory_space<vmem>> -> memref<1x4096xf32, #tpu.memory_space<vmem>>
    %dma_start3A_61 = tpu.memref_squeeze %dma_start3A_60 : memref<1x4096xf32, #tpu.memory_space<vmem>> -> memref<4096xf32, #tpu.memory_space<vmem>>
    %dma_start3A_62 = tpu.memref_slice %arg4[%add3A_27] : memref<2684354xf32, #tpu.memory_space<hbm>> -> memref<4096xf32, #tpu.memory_space<hbm>>
    tpu.enqueue_dma source(%dma_start3A_62 : memref<4096xf32, #tpu.memory_space<hbm>>) target(%dma_start3A_61 : memref<4096xf32, #tpu.memory_space<vmem>>) target_semaphore(%dma_start3A_58 : memref<!tpu.dma_semaphore, #tpu.memory_space<semaphore_mem>>)
    %add3A_63 = arith.constant 4096 : i32
    %add3A_64 = arith.addi %mul3A_25, %add3A_63 : i32
    %dma_start3A_65 = arith.constant 1 : i32
    %dma_start3A_66 = arith.constant 1 : i32
    %dma_start3A_67 = arith.constant 0 : i32
    %dma_start3A_68 = tpu.memref_slice %arg9[%dma_start3A_65, %dma_start3A_67] : memref<4x4096xi32, #tpu.memory_space<vmem>> -> memref<1x4096xi32, #tpu.memory_space<vmem>>
    %dma_start3A_69 = tpu.memref_squeeze %dma_start3A_68 : memref<1x4096xi32, #tpu.memory_space<vmem>> -> memref<4096xi32, #tpu.memory_space<vmem>>
    %dma_start3A_70 = tpu.memref_slice %arg2[%add3A_64] : memref<2684354xi32, #tpu.memory_space<hbm>> -> memref<4096xi32, #tpu.memory_space<hbm>>
    %dma_start3A_71 = tpu.memref_slice %arg15[%dma_start3A_66] : memref<4x!tpu.dma_semaphore, #tpu.memory_space<semaphore_mem>> -> memref<1x!tpu.dma_semaphore, #tpu.memory_space<semaphore_mem>>
    %dma_start3A_72 = tpu.memref_squeeze %dma_start3A_71 : memref<1x!tpu.dma_semaphore, #tpu.memory_space<semaphore_mem>> -> memref<!tpu.dma_semaphore, #tpu.memory_space<semaphore_mem>>
    %dma_start3A_73 = arith.constant 0 : i32
    %dma_start3A_74 = tpu.memref_slice %arg9[%dma_start3A_65, %dma_start3A_73] : memref<4x4096xi32, #tpu.memory_space<vmem>> -> memref<1x4096xi32, #tpu.memory_space<vmem>>
    %dma_start3A_75 = tpu.memref_squeeze %dma_start3A_74 : memref<1x4096xi32, #tpu.memory_space<vmem>> -> memref<4096xi32, #tpu.memory_space<vmem>>
    %dma_start3A_76 = tpu.memref_slice %arg2[%add3A_64] : memref<2684354xi32, #tpu.memory_space<hbm>> -> memref<4096xi32, #tpu.memory_space<hbm>>
    tpu.enqueue_dma source(%dma_start3A_76 : memref<4096xi32, #tpu.memory_space<hbm>>) target(%dma_start3A_75 : memref<4096xi32, #tpu.memory_space<vmem>>) target_semaphore(%dma_start3A_72 : memref<!tpu.dma_semaphore, #tpu.memory_space<semaphore_mem>>)
    %dma_start3A_77 = arith.constant 1 : i32
    %dma_start3A_78 = arith.constant 1 : i32
    %dma_start3A_79 = arith.constant 0 : i32
    %dma_start3A_80 = tpu.memref_slice %arg10[%dma_start3A_77, %dma_start3A_79] : memref<4x4096xi32, #tpu.memory_space<vmem>> -> memref<1x4096xi32, #tpu.memory_space<vmem>>
    %dma_start3A_81 = tpu.memref_squeeze %dma_start3A_80 : memref<1x4096xi32, #tpu.memory_space<vmem>> -> memref<4096xi32, #tpu.memory_space<vmem>>
    %dma_start3A_82 = tpu.memref_slice %arg3[%add3A_64] : memref<2684354xi32, #tpu.memory_space<hbm>> -> memref<4096xi32, #tpu.memory_space<hbm>>
    %dma_start3A_83 = tpu.memref_slice %arg15[%dma_start3A_78] : memref<4x!tpu.dma_semaphore, #tpu.memory_space<semaphore_mem>> -> memref<1x!tpu.dma_semaphore, #tpu.memory_space<semaphore_mem>>
    %dma_start3A_84 = tpu.memref_squeeze %dma_start3A_83 : memref<1x!tpu.dma_semaphore, #tpu.memory_space<semaphore_mem>> -> memref<!tpu.dma_semaphore, #tpu.memory_space<semaphore_mem>>
    %dma_start3A_85 = arith.constant 0 : i32
    %dma_start3A_86 = tpu.memref_slice %arg10[%dma_start3A_77, %dma_start3A_85] : memref<4x4096xi32, #tpu.memory_space<vmem>> -> memref<1x4096xi32, #tpu.memory_space<vmem>>
    %dma_start3A_87 = tpu.memref_squeeze %dma_start3A_86 : memref<1x4096xi32, #tpu.memory_space<vmem>> -> memref<4096xi32, #tpu.memory_space<vmem>>
    %dma_start3A_88 = tpu.memref_slice %arg3[%add3A_64] : memref<2684354xi32, #tpu.memory_space<hbm>> -> memref<4096xi32, #tpu.memory_space<hbm>>
    tpu.enqueue_dma source(%dma_start3A_88 : memref<4096xi32, #tpu.memory_space<hbm>>) target(%dma_start3A_87 : memref<4096xi32, #tpu.memory_space<vmem>>) target_semaphore(%dma_start3A_84 : memref<!tpu.dma_semaphore, #tpu.memory_space<semaphore_mem>>)
    %dma_start3A_89 = arith.constant 1 : i32
    %dma_start3A_90 = arith.constant 1 : i32
    %dma_start3A_91 = arith.constant 0 : i32
    %dma_start3A_92 = tpu.memref_slice %arg11[%dma_start3A_89, %dma_start3A_91] : memref<4x4096xf32, #tpu.memory_space<vmem>> -> memref<1x4096xf32, #tpu.memory_space<vmem>>
    %dma_start3A_93 = tpu.memref_squeeze %dma_start3A_92 : memref<1x4096xf32, #tpu.memory_space<vmem>> -> memref<4096xf32, #tpu.memory_space<vmem>>
    %dma_start3A_94 = tpu.memref_slice %arg4[%add3A_64] : memref<2684354xf32, #tpu.memory_space<hbm>> -> memref<4096xf32, #tpu.memory_space<hbm>>
    %dma_start3A_95 = tpu.memref_slice %arg15[%dma_start3A_90] : memref<4x!tpu.dma_semaphore, #tpu.memory_space<semaphore_mem>> -> memref<1x!tpu.dma_semaphore, #tpu.memory_space<semaphore_mem>>
    %dma_start3A_96 = tpu.memref_squeeze %dma_start3A_95 : memref<1x!tpu.dma_semaphore, #tpu.memory_space<semaphore_mem>> -> memref<!tpu.dma_semaphore, #tpu.memory_space<semaphore_mem>>
    %dma_start3A_97 = arith.constant 0 : i32
    %dma_start3A_98 = tpu.memref_slice %arg11[%dma_start3A_89, %dma_start3A_97] : memref<4x4096xf32, #tpu.memory_space<vmem>> -> memref<1x4096xf32, #tpu.memory_space<vmem>>
    %dma_start3A_99 = tpu.memref_squeeze %dma_start3A_98 : memref<1x4096xf32, #tpu.memory_space<vmem>> -> memref<4096xf32, #tpu.memory_space<vmem>>
    %dma_start3A_100 = tpu.memref_slice %arg4[%add3A_64] : memref<2684354xf32, #tpu.memory_space<hbm>> -> memref<4096xf32, #tpu.memory_space<hbm>>
    tpu.enqueue_dma source(%dma_start3A_100 : memref<4096xf32, #tpu.memory_space<hbm>>) target(%dma_start3A_99 : memref<4096xf32, #tpu.memory_space<vmem>>) target_semaphore(%dma_start3A_96 : memref<!tpu.dma_semaphore, #tpu.memory_space<semaphore_mem>>)
    %add3A_101 = arith.constant 8192 : i32
    %add3A_102 = arith.addi %mul3A_25, %add3A_101 : i32
    %dma_start3A_103 = arith.constant 2 : i32
    %dma_start3A_104 = arith.constant 2 : i32
    %dma_start3A_105 = arith.constant 0 : i32
    %dma_start3A_106 = tpu.memref_slice %arg9[%dma_start3A_103, %dma_start3A_105] : memref<4x4096xi32, #tpu.memory_space<vmem>> -> memref<1x4096xi32, #tpu.memory_space<vmem>>
    %dma_start3A_107 = tpu.memref_squeeze %dma_start3A_106 : memref<1x4096xi32, #tpu.memory_space<vmem>> -> memref<4096xi32, #tpu.memory_space<vmem>>
    %dma_start3A_108 = tpu.memref_slice %arg2[%add3A_102] : memref<2684354xi32, #tpu.memory_space<hbm>> -> memref<4096xi32, #tpu.memory_space<hbm>>
    %dma_start3A_109 = tpu.memref_slice %arg15[%dma_start3A_104] : memref<4x!tpu.dma_semaphore, #tpu.memory_space<semaphore_mem>> -> memref<1x!tpu.dma_semaphore, #tpu.memory_space<semaphore_mem>>
    %dma_start3A_110 = tpu.memref_squeeze %dma_start3A_109 : memref<1x!tpu.dma_semaphore, #tpu.memory_space<semaphore_mem>> -> memref<!tpu.dma_semaphore, #tpu.memory_space<semaphore_mem>>
    %dma_start3A_111 = arith.constant 0 : i32
    %dma_start3A_112 = tpu.memref_slice %arg9[%dma_start3A_103, %dma_start3A_111] : memref<4x4096xi32, #tpu.memory_space<vmem>> -> memref<1x4096xi32, #tpu.memory_space<vmem>>
    %dma_start3A_113 = tpu.memref_squeeze %dma_start3A_112 : memref<1x4096xi32, #tpu.memory_space<vmem>> -> memref<4096xi32, #tpu.memory_space<vmem>>
    %dma_start3A_114 = tpu.memref_slice %arg2[%add3A_102] : memref<2684354xi32, #tpu.memory_space<hbm>> -> memref<4096xi32, #tpu.memory_space<hbm>>
    tpu.enqueue_dma source(%dma_start3A_114 : memref<4096xi32, #tpu.memory_space<hbm>>) target(%dma_start3A_113 : memref<4096xi32, #tpu.memory_space<vmem>>) target_semaphore(%dma_start3A_110 : memref<!tpu.dma_semaphore, #tpu.memory_space<semaphore_mem>>)
    %dma_start3A_115 = arith.constant 2 : i32
    %dma_start3A_116 = arith.constant 2 : i32
    %dma_start3A_117 = arith.constant 0 : i32
    %dma_start3A_118 = tpu.memref_slice %arg10[%dma_start3A_115, %dma_start3A_117] : memref<4x4096xi32, #tpu.memory_space<vmem>> -> memref<1x4096xi32, #tpu.memory_space<vmem>>
    %dma_start3A_119 = tpu.memref_squeeze %dma_start3A_118 : memref<1x4096xi32, #tpu.memory_space<vmem>> -> memref<4096xi32, #tpu.memory_space<vmem>>
    %dma_start3A_120 = tpu.memref_slice %arg3[%add3A_102] : memref<2684354xi32, #tpu.memory_space<hbm>> -> memref<4096xi32, #tpu.memory_space<hbm>>
    %dma_start3A_121 = tpu.memref_slice %arg15[%dma_start3A_116] : memref<4x!tpu.dma_semaphore, #tpu.memory_space<semaphore_mem>> -> memref<1x!tpu.dma_semaphore, #tpu.memory_space<semaphore_mem>>
    %dma_start3A_122 = tpu.memref_squeeze %dma_start3A_121 : memref<1x!tpu.dma_semaphore, #tpu.memory_space<semaphore_mem>> -> memref<!tpu.dma_semaphore, #tpu.memory_space<semaphore_mem>>
    %dma_start3A_123 = arith.constant 0 : i32
    %dma_start3A_124 = tpu.memref_slice %arg10[%dma_start3A_115, %dma_start3A_123] : memref<4x4096xi32, #tpu.memory_space<vmem>> -> memref<1x4096xi32, #tpu.memory_space<vmem>>
    %dma_start3A_125 = tpu.memref_squeeze %dma_start3A_124 : memref<1x4096xi32, #tpu.memory_space<vmem>> -> memref<4096xi32, #tpu.memory_space<vmem>>
    %dma_start3A_126 = tpu.memref_slice %arg3[%add3A_102] : memref<2684354xi32, #tpu.memory_space<hbm>> -> memref<4096xi32, #tpu.memory_space<hbm>>
    tpu.enqueue_dma source(%dma_start3A_126 : memref<4096xi32, #tpu.memory_space<hbm>>) target(%dma_start3A_125 : memref<4096xi32, #tpu.memory_space<vmem>>) target_semaphore(%dma_start3A_122 : memref<!tpu.dma_semaphore, #tpu.memory_space<semaphore_mem>>)
    %dma_start3A_127 = arith.constant 2 : i32
    %dma_start3A_128 = arith.constant 2 : i32
    %dma_start3A_129 = arith.constant 0 : i32
    %dma_start3A_130 = tpu.memref_slice %arg11[%dma_start3A_127, %dma_start3A_129] : memref<4x4096xf32, #tpu.memory_space<vmem>> -> memref<1x4096xf32, #tpu.memory_space<vmem>>
    %dma_start3A_131 = tpu.memref_squeeze %dma_start3A_130 : memref<1x4096xf32, #tpu.memory_space<vmem>> -> memref<4096xf32, #tpu.memory_space<vmem>>
    %dma_start3A_132 = tpu.memref_slice %arg4[%add3A_102] : memref<2684354xf32, #tpu.memory_space<hbm>> -> memref<4096xf32, #tpu.memory_space<hbm>>
    %dma_start3A_133 = tpu.memref_slice %arg15[%dma_start3A_128] : memref<4x!tpu.dma_semaphore, #tpu.memory_space<semaphore_mem>> -> memref<1x!tpu.dma_semaphore, #tpu.memory_space<semaphore_mem>>
    %dma_start3A_134 = tpu.memref_squeeze %dma_start3A_133 : memref<1x!tpu.dma_semaphore, #tpu.memory_space<semaphore_mem>> -> memref<!tpu.dma_semaphore, #tpu.memory_space<semaphore_mem>>
    %dma_start3A_135 = arith.constant 0 : i32
    %dma_start3A_136 = tpu.memref_slice %arg11[%dma_start3A_127, %dma_start3A_135] : memref<4x4096xf32, #tpu.memory_space<vmem>> -> memref<1x4096xf32, #tpu.memory_space<vmem>>
    %dma_start3A_137 = tpu.memref_squeeze %dma_start3A_136 : memref<1x4096xf32, #tpu.memory_space<vmem>> -> memref<4096xf32, #tpu.memory_space<vmem>>
    %dma_start3A_138 = tpu.memref_slice %arg4[%add3A_102] : memref<2684354xf32, #tpu.memory_space<hbm>> -> memref<4096xf32, #tpu.memory_space<hbm>>
    tpu.enqueue_dma source(%dma_start3A_138 : memref<4096xf32, #tpu.memory_space<hbm>>) target(%dma_start3A_137 : memref<4096xf32, #tpu.memory_space<vmem>>) target_semaphore(%dma_start3A_134 : memref<!tpu.dma_semaphore, #tpu.memory_space<semaphore_mem>>)
    %add3A_139 = arith.constant 12288 : i32
    %add3A_140 = arith.addi %mul3A_25, %add3A_139 : i32
    %dma_start3A_141 = arith.constant 3 : i32
    %dma_start3A_142 = arith.constant 3 : i32
    %dma_start3A_143 = arith.constant 0 : i32
    %dma_start3A_144 = tpu.memref_slice %arg9[%dma_start3A_141, %dma_start3A_143] : memref<4x4096xi32, #tpu.memory_space<vmem>> -> memref<1x4096xi32, #tpu.memory_space<vmem>>
    %dma_start3A_145 = tpu.memref_squeeze %dma_start3A_144 : memref<1x4096xi32, #tpu.memory_space<vmem>> -> memref<4096xi32, #tpu.memory_space<vmem>>
    %dma_start3A_146 = tpu.memref_slice %arg2[%add3A_140] : memref<2684354xi32, #tpu.memory_space<hbm>> -> memref<4096xi32, #tpu.memory_space<hbm>>
    %dma_start3A_147 = tpu.memref_slice %arg15[%dma_start3A_142] : memref<4x!tpu.dma_semaphore, #tpu.memory_space<semaphore_mem>> -> memref<1x!tpu.dma_semaphore, #tpu.memory_space<semaphore_mem>>
    %dma_start3A_148 = tpu.memref_squeeze %dma_start3A_147 : memref<1x!tpu.dma_semaphore, #tpu.memory_space<semaphore_mem>> -> memref<!tpu.dma_semaphore, #tpu.memory_space<semaphore_mem>>
    %dma_start3A_149 = arith.constant 0 : i32
    %dma_start3A_150 = tpu.memref_slice %arg9[%dma_start3A_141, %dma_start3A_149] : memref<4x4096xi32, #tpu.memory_space<vmem>> -> memref<1x4096xi32, #tpu.memory_space<vmem>>
    %dma_start3A_151 = tpu.memref_squeeze %dma_start3A_150 : memref<1x4096xi32, #tpu.memory_space<vmem>> -> memref<4096xi32, #tpu.memory_space<vmem>>
    %dma_start3A_152 = tpu.memref_slice %arg2[%add3A_140] : memref<2684354xi32, #tpu.memory_space<hbm>> -> memref<4096xi32, #tpu.memory_space<hbm>>
    tpu.enqueue_dma source(%dma_start3A_152 : memref<4096xi32, #tpu.memory_space<hbm>>) target(%dma_start3A_151 : memref<4096xi32, #tpu.memory_space<vmem>>) target_semaphore(%dma_start3A_148 : memref<!tpu.dma_semaphore, #tpu.memory_space<semaphore_mem>>)
    %dma_start3A_153 = arith.constant 3 : i32
    %dma_start3A_154 = arith.constant 3 : i32
    %dma_start3A_155 = arith.constant 0 : i32
    %dma_start3A_156 = tpu.memref_slice %arg10[%dma_start3A_153, %dma_start3A_155] : memref<4x4096xi32, #tpu.memory_space<vmem>> -> memref<1x4096xi32, #tpu.memory_space<vmem>>
    %dma_start3A_157 = tpu.memref_squeeze %dma_start3A_156 : memref<1x4096xi32, #tpu.memory_space<vmem>> -> memref<4096xi32, #tpu.memory_space<vmem>>
    %dma_start3A_158 = tpu.memref_slice %arg3[%add3A_140] : memref<2684354xi32, #tpu.memory_space<hbm>> -> memref<4096xi32, #tpu.memory_space<hbm>>
    %dma_start3A_159 = tpu.memref_slice %arg15[%dma_start3A_154] : memref<4x!tpu.dma_semaphore, #tpu.memory_space<semaphore_mem>> -> memref<1x!tpu.dma_semaphore, #tpu.memory_space<semaphore_mem>>
    %dma_start3A_160 = tpu.memref_squeeze %dma_start3A_159 : memref<1x!tpu.dma_semaphore, #tpu.memory_space<semaphore_mem>> -> memref<!tpu.dma_semaphore, #tpu.memory_space<semaphore_mem>>
    %dma_start3A_161 = arith.constant 0 : i32
    %dma_start3A_162 = tpu.memref_slice %arg10[%dma_start3A_153, %dma_start3A_161] : memref<4x4096xi32, #tpu.memory_space<vmem>> -> memref<1x4096xi32, #tpu.memory_space<vmem>>
    %dma_start3A_163 = tpu.memref_squeeze %dma_start3A_162 : memref<1x4096xi32, #tpu.memory_space<vmem>> -> memref<4096xi32, #tpu.memory_space<vmem>>
    %dma_start3A_164 = tpu.memref_slice %arg3[%add3A_140] : memref<2684354xi32, #tpu.memory_space<hbm>> -> memref<4096xi32, #tpu.memory_space<hbm>>
    tpu.enqueue_dma source(%dma_start3A_164 : memref<4096xi32, #tpu.memory_space<hbm>>) target(%dma_start3A_163 : memref<4096xi32, #tpu.memory_space<vmem>>) target_semaphore(%dma_start3A_160 : memref<!tpu.dma_semaphore, #tpu.memory_space<semaphore_mem>>)
    %dma_start3A_165 = arith.constant 3 : i32
    %dma_start3A_166 = arith.constant 3 : i32
    %dma_start3A_167 = arith.constant 0 : i32
    %dma_start3A_168 = tpu.memref_slice %arg11[%dma_start3A_165, %dma_start3A_167] : memref<4x4096xf32, #tpu.memory_space<vmem>> -> memref<1x4096xf32, #tpu.memory_space<vmem>>
    %dma_start3A_169 = tpu.memref_squeeze %dma_start3A_168 : memref<1x4096xf32, #tpu.memory_space<vmem>> -> memref<4096xf32, #tpu.memory_space<vmem>>
    %dma_start3A_170 = tpu.memref_slice %arg4[%add3A_140] : memref<2684354xf32, #tpu.memory_space<hbm>> -> memref<4096xf32, #tpu.memory_space<hbm>>
    %dma_start3A_171 = tpu.memref_slice %arg15[%dma_start3A_166] : memref<4x!tpu.dma_semaphore, #tpu.memory_space<semaphore_mem>> -> memref<1x!tpu.dma_semaphore, #tpu.memory_space<semaphore_mem>>
    %dma_start3A_172 = tpu.memref_squeeze %dma_start3A_171 : memref<1x!tpu.dma_semaphore, #tpu.memory_space<semaphore_mem>> -> memref<!tpu.dma_semaphore, #tpu.memory_space<semaphore_mem>>
    %dma_start3A_173 = arith.constant 0 : i32
    %dma_start3A_174 = tpu.memref_slice %arg11[%dma_start3A_165, %dma_start3A_173] : memref<4x4096xf32, #tpu.memory_space<vmem>> -> memref<1x4096xf32, #tpu.memory_space<vmem>>
    %dma_start3A_175 = tpu.memref_squeeze %dma_start3A_174 : memref<1x4096xf32, #tpu.memory_space<vmem>> -> memref<4096xf32, #tpu.memory_space<vmem>>
    %dma_start3A_176 = tpu.memref_slice %arg4[%add3A_140] : memref<2684354xf32, #tpu.memory_space<hbm>> -> memref<4096xf32, #tpu.memory_space<hbm>>
    tpu.enqueue_dma source(%dma_start3A_176 : memref<4096xf32, #tpu.memory_space<hbm>>) target(%dma_start3A_175 : memref<4096xf32, #tpu.memory_space<vmem>>) target_semaphore(%dma_start3A_172 : memref<!tpu.dma_semaphore, #tpu.memory_space<semaphore_mem>>)
    tpu.enqueue_dma source(%arg5 : memref<16384xf32, #tpu.memory_space<hbm>>) target(%arg7 : memref<16384xf32, #tpu.memory_space<vmem>>) target_semaphore(%arg16 : memref<!tpu.dma_semaphore, #tpu.memory_space<semaphore_mem>>)
    %broadcast_in_dim3A = arith.constant 0.000000e+00 : f32
    %broadcast_in_dim3A_177 = vector.broadcast %broadcast_in_dim3A : f32 to vector<16xf32>
    %parallel_loop3A = arith.constant 0 : i32
    %parallel_loop3A_178 = arith.constant 1024 : i32
    %parallel_loop3A_179 = arith.constant 1 : i32
    scf.for %parallel_loop3A_204 = %parallel_loop3A to %parallel_loop3A_178 step %parallel_loop3A_179  : i32 {
      %parallel_loop3A_205 = arith.constant 16 : i32
      %parallel_loop3A_206 = arith.muli %parallel_loop3A_204, %parallel_loop3A_205 : i32
      %parallel_loop3A_207 = arith.index_cast %parallel_loop3A_206 : i32 to index
      %parallel_loop3A_208 = tpu.vector_load %arg8[%parallel_loop3A_207] {strides = array<i32>} : memref<16384xf32, #tpu.memory_space<vmem>>, vector<16xf32>,
      tpu.vector_store %arg8[%parallel_loop3A_207], %broadcast_in_dim3A_177 {strides = array<i32>} : memref<16384xf32, #tpu.memory_space<vmem>>, vector<16xf32>,
    } {sc.loop_unroll_factor = 8 : i64, sc.parallel_access}
    tpu.wait_dma2 semaphore(%arg16 : memref<!tpu.dma_semaphore, #tpu.memory_space<semaphore_mem>>) src(%arg5 : memref<16384xf32, #tpu.memory_space<hbm>>) dst(%arg7 : memref<16384xf32, #tpu.memory_space<vmem>>)
    %while3A = arith.constant 0 : i32
    %while3A_180 = arith.subi %select_n3A, %while3A : i32
    %while3A_181 = arith.addi %while3A, %while3A_180 : i32
    %while3A_182 = arith.constant 1 : i32
    %while3A_183 = arith.divsi %while3A_180, %while3A_182 : i32
    %while3A_184 = arith.muli %while3A_183, %while3A_182 : i32
    %while3A_185 = arith.addi %while3A, %while3A_184 : i32
    %while3A_186 = arith.constant 1 : i32
    scf.for %while3A_204 = %while3A to %while3A_185 step %while3A_186  : i32 {
      %rem3A = arith.constant 4 : i32
      %rem3A_205 = arith.remsi %while3A_204, %rem3A : i32
      %dma_wait3A_206 = arith.constant 0 : i32
      %dma_wait3A_207 = tpu.memref_slice %arg9[%rem3A_205, %dma_wait3A_206] : memref<4x4096xi32, #tpu.memory_space<vmem>> -> memref<1x4096xi32, #tpu.memory_space<vmem>>
      %dma_wait3A_208 = tpu.memref_squeeze %dma_wait3A_207 : memref<1x4096xi32, #tpu.memory_space<vmem>> -> memref<4096xi32, #tpu.memory_space<vmem>>
      %dma_wait3A_209 = arith.constant 0 : i32
      %dma_wait3A_210 = tpu.memref_slice %arg2[%dma_wait3A_209] : memref<2684354xi32, #tpu.memory_space<hbm>> -> memref<4096xi32, #tpu.memory_space<hbm>>
      %dma_wait3A_211 = tpu.memref_slice %arg15[%rem3A_205] : memref<4x!tpu.dma_semaphore, #tpu.memory_space<semaphore_mem>> -> memref<1x!tpu.dma_semaphore, #tpu.memory_space<semaphore_mem>>
      %dma_wait3A_212 = tpu.memref_squeeze %dma_wait3A_211 : memref<1x!tpu.dma_semaphore, #tpu.memory_space<semaphore_mem>> -> memref<!tpu.dma_semaphore, #tpu.memory_space<semaphore_mem>>
      %dma_wait3A_213 = arith.constant 0 : i32
      %dma_wait3A_214 = tpu.memref_slice %arg9[%rem3A_205, %dma_wait3A_213] : memref<4x4096xi32, #tpu.memory_space<vmem>> -> memref<1x4096xi32, #tpu.memory_space<vmem>>
      %dma_wait3A_215 = tpu.memref_squeeze %dma_wait3A_214 : memref<1x4096xi32, #tpu.memory_space<vmem>> -> memref<4096xi32, #tpu.memory_space<vmem>>
      %dma_wait3A_216 = arith.constant 0 : i32
      %dma_wait3A_217 = tpu.memref_slice %arg2[%dma_wait3A_216] : memref<2684354xi32, #tpu.memory_space<hbm>> -> memref<4096xi32, #tpu.memory_space<hbm>>
      tpu.wait_dma2 semaphore(%dma_wait3A_212 : memref<!tpu.dma_semaphore, #tpu.memory_space<semaphore_mem>>) src(%dma_wait3A_217 : memref<4096xi32, #tpu.memory_space<hbm>>) dst(%dma_wait3A_215 : memref<4096xi32, #tpu.memory_space<vmem>>)
      %dma_wait3A_218 = arith.constant 0 : i32
      %dma_wait3A_219 = tpu.memref_slice %arg10[%rem3A_205, %dma_wait3A_218] : memref<4x4096xi32, #tpu.memory_space<vmem>> -> memref<1x4096xi32, #tpu.memory_space<vmem>>
      %dma_wait3A_220 = tpu.memref_squeeze %dma_wait3A_219 : memref<1x4096xi32, #tpu.memory_space<vmem>> -> memref<4096xi32, #tpu.memory_space<vmem>>
      %dma_wait3A_221 = arith.constant 0 : i32
      %dma_wait3A_222 = tpu.memref_slice %arg3[%dma_wait3A_221] : memref<2684354xi32, #tpu.memory_space<hbm>> -> memref<4096xi32, #tpu.memory_space<hbm>>
      %dma_wait3A_223 = tpu.memref_slice %arg15[%rem3A_205] : memref<4x!tpu.dma_semaphore, #tpu.memory_space<semaphore_mem>> -> memref<1x!tpu.dma_semaphore, #tpu.memory_space<semaphore_mem>>
      %dma_wait3A_224 = tpu.memref_squeeze %dma_wait3A_223 : memref<1x!tpu.dma_semaphore, #tpu.memory_space<semaphore_mem>> -> memref<!tpu.dma_semaphore, #tpu.memory_space<semaphore_mem>>
      %dma_wait3A_225 = arith.constant 0 : i32
      %dma_wait3A_226 = tpu.memref_slice %arg10[%rem3A_205, %dma_wait3A_225] : memref<4x4096xi32, #tpu.memory_space<vmem>> -> memref<1x4096xi32, #tpu.memory_space<vmem>>
      %dma_wait3A_227 = tpu.memref_squeeze %dma_wait3A_226 : memref<1x4096xi32, #tpu.memory_space<vmem>> -> memref<4096xi32, #tpu.memory_space<vmem>>
      %dma_wait3A_228 = arith.constant 0 : i32
      %dma_wait3A_229 = tpu.memref_slice %arg3[%dma_wait3A_228] : memref<2684354xi32, #tpu.memory_space<hbm>> -> memref<4096xi32, #tpu.memory_space<hbm>>
      tpu.wait_dma2 semaphore(%dma_wait3A_224 : memref<!tpu.dma_semaphore, #tpu.memory_space<semaphore_mem>>) src(%dma_wait3A_229 : memref<4096xi32, #tpu.memory_space<hbm>>) dst(%dma_wait3A_227 : memref<4096xi32, #tpu.memory_space<vmem>>)
      %dma_wait3A_230 = arith.constant 0 : i32
      %dma_wait3A_231 = tpu.memref_slice %arg11[%rem3A_205, %dma_wait3A_230] : memref<4x4096xf32, #tpu.memory_space<vmem>> -> memref<1x4096xf32, #tpu.memory_space<vmem>>
      %dma_wait3A_232 = tpu.memref_squeeze %dma_wait3A_231 : memref<1x4096xf32, #tpu.memory_space<vmem>> -> memref<4096xf32, #tpu.memory_space<vmem>>
      %dma_wait3A_233 = arith.constant 0 : i32
      %dma_wait3A_234 = tpu.memref_slice %arg4[%dma_wait3A_233] : memref<2684354xf32, #tpu.memory_space<hbm>> -> memref<4096xf32, #tpu.memory_space<hbm>>
      %dma_wait3A_235 = tpu.memref_slice %arg15[%rem3A_205] : memref<4x!tpu.dma_semaphore, #tpu.memory_space<semaphore_mem>> -> memref<1x!tpu.dma_semaphore, #tpu.memory_space<semaphore_mem>>
      %dma_wait3A_236 = tpu.memref_squeeze %dma_wait3A_235 : memref<1x!tpu.dma_semaphore, #tpu.memory_space<semaphore_mem>> -> memref<!tpu.dma_semaphore, #tpu.memory_space<semaphore_mem>>
      %dma_wait3A_237 = arith.constant 0 : i32
      %dma_wait3A_238 = tpu.memref_slice %arg11[%rem3A_205, %dma_wait3A_237] : memref<4x4096xf32, #tpu.memory_space<vmem>> -> memref<1x4096xf32, #tpu.memory_space<vmem>>
      %dma_wait3A_239 = tpu.memref_squeeze %dma_wait3A_238 : memref<1x4096xf32, #tpu.memory_space<vmem>> -> memref<4096xf32, #tpu.memory_space<vmem>>
      %dma_wait3A_240 = arith.constant 0 : i32
      %dma_wait3A_241 = tpu.memref_slice %arg4[%dma_wait3A_240] : memref<2684354xf32, #tpu.memory_space<hbm>> -> memref<4096xf32, #tpu.memory_space<hbm>>
      tpu.wait_dma2 semaphore(%dma_wait3A_236 : memref<!tpu.dma_semaphore, #tpu.memory_space<semaphore_mem>>) src(%dma_wait3A_241 : memref<4096xf32, #tpu.memory_space<hbm>>) dst(%dma_wait3A_239 : memref<4096xf32, #tpu.memory_space<vmem>>)
      %parallel_loop3A_242 = arith.constant 0 : i32
      %parallel_loop3A_243 = arith.constant 256 : i32
      %parallel_loop3A_244 = arith.constant 1 : i32
      scf.for %parallel_loop3A_251 = %parallel_loop3A_242 to %parallel_loop3A_243 step %parallel_loop3A_244  : i32 {
        %parallel_loop3A_252 = arith.constant 16 : i32
        %parallel_loop3A_253 = arith.muli %parallel_loop3A_251, %parallel_loop3A_252 : i32
        %parallel_loop3A_254 = arith.index_cast %rem3A_205 : i32 to index
        %parallel_loop3A_255 = arith.index_cast %parallel_loop3A_253 : i32 to index
        %parallel_loop3A_256 = tpu.vector_load %arg10[%parallel_loop3A_254, %parallel_loop3A_255] {strides = array<i32>} : memref<4x4096xi32, #tpu.memory_space<vmem>>, vector<16xi32>,
        %parallel_loop3A_257 = tpu.vector_load_idx %arg7[%parallel_loop3A_256] : memref<16384xf32, #tpu.memory_space<vmem>>[vector<16xi32>], vector<16xf32>,
        %parallel_loop3A_258 = arith.index_cast %rem3A_205 : i32 to index
        %parallel_loop3A_259 = arith.index_cast %parallel_loop3A_253 : i32 to index
        %parallel_loop3A_260 = tpu.vector_load %arg9[%parallel_loop3A_258, %parallel_loop3A_259] {strides = array<i32>} : memref<4x4096xi32, #tpu.memory_space<vmem>>, vector<16xi32>,
        %parallel_loop3A_261 = arith.index_cast %rem3A_205 : i32 to index
        %parallel_loop3A_262 = arith.index_cast %parallel_loop3A_253 : i32 to index
        %parallel_loop3A_263 = tpu.vector_load %arg11[%parallel_loop3A_261, %parallel_loop3A_262] {strides = array<i32>} : memref<4x4096xf32, #tpu.memory_space<vmem>>, vector<16xf32>,
        %parallel_loop3A_264 = arith.mulf %parallel_loop3A_263, %parallel_loop3A_257 : vector<16xf32>
        tpu.vector_store_idx %arg8[%parallel_loop3A_260], %parallel_loop3A_264 {add = true} : memref<16384xf32, #tpu.memory_space<vmem>>[vector<16xi32>], vector<16xf32>,
      } {sc.loop_unroll_factor = 8 : i64, sc.parallel_access}
      %add3A_245 = arith.constant 4 : i32
      %add3A_246 = arith.addi %while3A_204, %add3A_245 : i32
      %lt3A_247 = arith.cmpi slt, %add3A_246, %select_n3A : i32
      %convert_element_type3A_248 = arith.extui %lt3A_247 : i1 to i32
      %cond3A_249 = arith.constant 0 : i32
      %cond3A_250 = arith.cmpi ne, %convert_element_type3A_248, %cond3A_249 : i32
      scf.if %cond3A_250 {
        %add3A_251 = arith.constant 4 : i32
        %add3A_252 = arith.addi %while3A_204, %add3A_251 : i32
        %mul3A_253 = arith.constant 4096 : i32
        %mul3A_254 = arith.muli %add3A_252, %mul3A_253 : i32
        %add3A_255 = arith.addi %mul3A_25, %mul3A_254 : i32
        %dma_start3A_256 = arith.constant 0 : i32
        %dma_start3A_257 = tpu.memref_slice %arg9[%rem3A_205, %dma_start3A_256] : memref<4x4096xi32, #tpu.memory_space<vmem>> -> memref<1x4096xi32, #tpu.memory_space<vmem>>
        %dma_start3A_258 = tpu.memref_squeeze %dma_start3A_257 : memref<1x4096xi32, #tpu.memory_space<vmem>> -> memref<4096xi32, #tpu.memory_space<vmem>>
        %dma_start3A_259 = tpu.memref_slice %arg2[%add3A_255] : memref<2684354xi32, #tpu.memory_space<hbm>> -> memref<4096xi32, #tpu.memory_space<hbm>>
        %dma_start3A_260 = tpu.memref_slice %arg15[%rem3A_205] : memref<4x!tpu.dma_semaphore, #tpu.memory_space<semaphore_mem>> -> memref<1x!tpu.dma_semaphore, #tpu.memory_space<semaphore_mem>>
        %dma_start3A_261 = tpu.memref_squeeze %dma_start3A_260 : memref<1x!tpu.dma_semaphore, #tpu.memory_space<semaphore_mem>> -> memref<!tpu.dma_semaphore, #tpu.memory_space<semaphore_mem>>
        %dma_start3A_262 = arith.constant 0 : i32
        %dma_start3A_263 = tpu.memref_slice %arg9[%rem3A_205, %dma_start3A_262] : memref<4x4096xi32, #tpu.memory_space<vmem>> -> memref<1x4096xi32, #tpu.memory_space<vmem>>
        %dma_start3A_264 = tpu.memref_squeeze %dma_start3A_263 : memref<1x4096xi32, #tpu.memory_space<vmem>> -> memref<4096xi32, #tpu.memory_space<vmem>>
        %dma_start3A_265 = tpu.memref_slice %arg2[%add3A_255] : memref<2684354xi32, #tpu.memory_space<hbm>> -> memref<4096xi32, #tpu.memory_space<hbm>>
        tpu.enqueue_dma source(%dma_start3A_265 : memref<4096xi32, #tpu.memory_space<hbm>>) target(%dma_start3A_264 : memref<4096xi32, #tpu.memory_space<vmem>>) target_semaphore(%dma_start3A_261 : memref<!tpu.dma_semaphore, #tpu.memory_space<semaphore_mem>>)
        %dma_start3A_266 = arith.constant 0 : i32
        %dma_start3A_267 = tpu.memref_slice %arg10[%rem3A_205, %dma_start3A_266] : memref<4x4096xi32, #tpu.memory_space<vmem>> -> memref<1x4096xi32, #tpu.memory_space<vmem>>
        %dma_start3A_268 = tpu.memref_squeeze %dma_start3A_267 : memref<1x4096xi32, #tpu.memory_space<vmem>> -> memref<4096xi32, #tpu.memory_space<vmem>>
        %dma_start3A_269 = tpu.memref_slice %arg3[%add3A_255] : memref<2684354xi32, #tpu.memory_space<hbm>> -> memref<4096xi32, #tpu.memory_space<hbm>>
        %dma_start3A_270 = tpu.memref_slice %arg15[%rem3A_205] : memref<4x!tpu.dma_semaphore, #tpu.memory_space<semaphore_mem>> -> memref<1x!tpu.dma_semaphore, #tpu.memory_space<semaphore_mem>>
        %dma_start3A_271 = tpu.memref_squeeze %dma_start3A_270 : memref<1x!tpu.dma_semaphore, #tpu.memory_space<semaphore_mem>> -> memref<!tpu.dma_semaphore, #tpu.memory_space<semaphore_mem>>
        %dma_start3A_272 = arith.constant 0 : i32
        %dma_start3A_273 = tpu.memref_slice %arg10[%rem3A_205, %dma_start3A_272] : memref<4x4096xi32, #tpu.memory_space<vmem>> -> memref<1x4096xi32, #tpu.memory_space<vmem>>
        %dma_start3A_274 = tpu.memref_squeeze %dma_start3A_273 : memref<1x4096xi32, #tpu.memory_space<vmem>> -> memref<4096xi32, #tpu.memory_space<vmem>>
        %dma_start3A_275 = tpu.memref_slice %arg3[%add3A_255] : memref<2684354xi32, #tpu.memory_space<hbm>> -> memref<4096xi32, #tpu.memory_space<hbm>>
        tpu.enqueue_dma source(%dma_start3A_275 : memref<4096xi32, #tpu.memory_space<hbm>>) target(%dma_start3A_274 : memref<4096xi32, #tpu.memory_space<vmem>>) target_semaphore(%dma_start3A_271 : memref<!tpu.dma_semaphore, #tpu.memory_space<semaphore_mem>>)
        %dma_start3A_276 = arith.constant 0 : i32
        %dma_start3A_277 = tpu.memref_slice %arg11[%rem3A_205, %dma_start3A_276] : memref<4x4096xf32, #tpu.memory_space<vmem>> -> memref<1x4096xf32, #tpu.memory_space<vmem>>
        %dma_start3A_278 = tpu.memref_squeeze %dma_start3A_277 : memref<1x4096xf32, #tpu.memory_space<vmem>> -> memref<4096xf32, #tpu.memory_space<vmem>>
        %dma_start3A_279 = tpu.memref_slice %arg4[%add3A_255] : memref<2684354xf32, #tpu.memory_space<hbm>> -> memref<4096xf32, #tpu.memory_space<hbm>>
        %dma_start3A_280 = tpu.memref_slice %arg15[%rem3A_205] : memref<4x!tpu.dma_semaphore, #tpu.memory_space<semaphore_mem>> -> memref<1x!tpu.dma_semaphore, #tpu.memory_space<semaphore_mem>>
        %dma_start3A_281 = tpu.memref_squeeze %dma_start3A_280 : memref<1x!tpu.dma_semaphore, #tpu.memory_space<semaphore_mem>> -> memref<!tpu.dma_semaphore, #tpu.memory_space<semaphore_mem>>
        %dma_start3A_282 = arith.constant 0 : i32
        %dma_start3A_283 = tpu.memref_slice %arg11[%rem3A_205, %dma_start3A_282] : memref<4x4096xf32, #tpu.memory_space<vmem>> -> memref<1x4096xf32, #tpu.memory_space<vmem>>
        %dma_start3A_284 = tpu.memref_squeeze %dma_start3A_283 : memref<1x4096xf32, #tpu.memory_space<vmem>> -> memref<4096xf32, #tpu.memory_space<vmem>>
        %dma_start3A_285 = tpu.memref_slice %arg4[%add3A_255] : memref<2684354xf32, #tpu.memory_space<hbm>> -> memref<4096xf32, #tpu.memory_space<hbm>>
        tpu.enqueue_dma source(%dma_start3A_285 : memref<4096xf32, #tpu.memory_space<hbm>>) target(%dma_start3A_284 : memref<4096xf32, #tpu.memory_space<vmem>>) target_semaphore(%dma_start3A_281 : memref<!tpu.dma_semaphore, #tpu.memory_space<semaphore_mem>>)
      } else {
      }
    }
    %while3A_187 = arith.constant 1 : i32
    scf.for %while3A_204 = %while3A_185 to %while3A_181 step %while3A_187  : i32 {
      %rem3A = arith.constant 4 : i32
      %rem3A_205 = arith.remsi %while3A_204, %rem3A : i32
      %dma_wait3A_206 = arith.constant 0 : i32
      %dma_wait3A_207 = tpu.memref_slice %arg9[%rem3A_205, %dma_wait3A_206] : memref<4x4096xi32, #tpu.memory_space<vmem>> -> memref<1x4096xi32, #tpu.memory_space<vmem>>
      %dma_wait3A_208 = tpu.memref_squeeze %dma_wait3A_207 : memref<1x4096xi32, #tpu.memory_space<vmem>> -> memref<4096xi32, #tpu.memory_space<vmem>>
      %dma_wait3A_209 = arith.constant 0 : i32
      %dma_wait3A_210 = tpu.memref_slice %arg2[%dma_wait3A_209] : memref<2684354xi32, #tpu.memory_space<hbm>> -> memref<4096xi32, #tpu.memory_space<hbm>>
      %dma_wait3A_211 = tpu.memref_slice %arg15[%rem3A_205] : memref<4x!tpu.dma_semaphore, #tpu.memory_space<semaphore_mem>> -> memref<1x!tpu.dma_semaphore, #tpu.memory_space<semaphore_mem>>
      %dma_wait3A_212 = tpu.memref_squeeze %dma_wait3A_211 : memref<1x!tpu.dma_semaphore, #tpu.memory_space<semaphore_mem>> -> memref<!tpu.dma_semaphore, #tpu.memory_space<semaphore_mem>>
      %dma_wait3A_213 = arith.constant 0 : i32
      %dma_wait3A_214 = tpu.memref_slice %arg9[%rem3A_205, %dma_wait3A_213] : memref<4x4096xi32, #tpu.memory_space<vmem>> -> memref<1x4096xi32, #tpu.memory_space<vmem>>
      %dma_wait3A_215 = tpu.memref_squeeze %dma_wait3A_214 : memref<1x4096xi32, #tpu.memory_space<vmem>> -> memref<4096xi32, #tpu.memory_space<vmem>>
      %dma_wait3A_216 = arith.constant 0 : i32
      %dma_wait3A_217 = tpu.memref_slice %arg2[%dma_wait3A_216] : memref<2684354xi32, #tpu.memory_space<hbm>> -> memref<4096xi32, #tpu.memory_space<hbm>>
      tpu.wait_dma2 semaphore(%dma_wait3A_212 : memref<!tpu.dma_semaphore, #tpu.memory_space<semaphore_mem>>) src(%dma_wait3A_217 : memref<4096xi32, #tpu.memory_space<hbm>>) dst(%dma_wait3A_215 : memref<4096xi32, #tpu.memory_space<vmem>>)
      %dma_wait3A_218 = arith.constant 0 : i32
      %dma_wait3A_219 = tpu.memref_slice %arg10[%rem3A_205, %dma_wait3A_218] : memref<4x4096xi32, #tpu.memory_space<vmem>> -> memref<1x4096xi32, #tpu.memory_space<vmem>>
      %dma_wait3A_220 = tpu.memref_squeeze %dma_wait3A_219 : memref<1x4096xi32, #tpu.memory_space<vmem>> -> memref<4096xi32, #tpu.memory_space<vmem>>
      %dma_wait3A_221 = arith.constant 0 : i32
      %dma_wait3A_222 = tpu.memref_slice %arg3[%dma_wait3A_221] : memref<2684354xi32, #tpu.memory_space<hbm>> -> memref<4096xi32, #tpu.memory_space<hbm>>
      %dma_wait3A_223 = tpu.memref_slice %arg15[%rem3A_205] : memref<4x!tpu.dma_semaphore, #tpu.memory_space<semaphore_mem>> -> memref<1x!tpu.dma_semaphore, #tpu.memory_space<semaphore_mem>>
      %dma_wait3A_224 = tpu.memref_squeeze %dma_wait3A_223 : memref<1x!tpu.dma_semaphore, #tpu.memory_space<semaphore_mem>> -> memref<!tpu.dma_semaphore, #tpu.memory_space<semaphore_mem>>
      %dma_wait3A_225 = arith.constant 0 : i32
      %dma_wait3A_226 = tpu.memref_slice %arg10[%rem3A_205, %dma_wait3A_225] : memref<4x4096xi32, #tpu.memory_space<vmem>> -> memref<1x4096xi32, #tpu.memory_space<vmem>>
      %dma_wait3A_227 = tpu.memref_squeeze %dma_wait3A_226 : memref<1x4096xi32, #tpu.memory_space<vmem>> -> memref<4096xi32, #tpu.memory_space<vmem>>
      %dma_wait3A_228 = arith.constant 0 : i32
      %dma_wait3A_229 = tpu.memref_slice %arg3[%dma_wait3A_228] : memref<2684354xi32, #tpu.memory_space<hbm>> -> memref<4096xi32, #tpu.memory_space<hbm>>
      tpu.wait_dma2 semaphore(%dma_wait3A_224 : memref<!tpu.dma_semaphore, #tpu.memory_space<semaphore_mem>>) src(%dma_wait3A_229 : memref<4096xi32, #tpu.memory_space<hbm>>) dst(%dma_wait3A_227 : memref<4096xi32, #tpu.memory_space<vmem>>)
      %dma_wait3A_230 = arith.constant 0 : i32
      %dma_wait3A_231 = tpu.memref_slice %arg11[%rem3A_205, %dma_wait3A_230] : memref<4x4096xf32, #tpu.memory_space<vmem>> -> memref<1x4096xf32, #tpu.memory_space<vmem>>
      %dma_wait3A_232 = tpu.memref_squeeze %dma_wait3A_231 : memref<1x4096xf32, #tpu.memory_space<vmem>> -> memref<4096xf32, #tpu.memory_space<vmem>>
      %dma_wait3A_233 = arith.constant 0 : i32
      %dma_wait3A_234 = tpu.memref_slice %arg4[%dma_wait3A_233] : memref<2684354xf32, #tpu.memory_space<hbm>> -> memref<4096xf32, #tpu.memory_space<hbm>>
      %dma_wait3A_235 = tpu.memref_slice %arg15[%rem3A_205] : memref<4x!tpu.dma_semaphore, #tpu.memory_space<semaphore_mem>> -> memref<1x!tpu.dma_semaphore, #tpu.memory_space<semaphore_mem>>
      %dma_wait3A_236 = tpu.memref_squeeze %dma_wait3A_235 : memref<1x!tpu.dma_semaphore, #tpu.memory_space<semaphore_mem>> -> memref<!tpu.dma_semaphore, #tpu.memory_space<semaphore_mem>>
      %dma_wait3A_237 = arith.constant 0 : i32
      %dma_wait3A_238 = tpu.memref_slice %arg11[%rem3A_205, %dma_wait3A_237] : memref<4x4096xf32, #tpu.memory_space<vmem>> -> memref<1x4096xf32, #tpu.memory_space<vmem>>
      %dma_wait3A_239 = tpu.memref_squeeze %dma_wait3A_238 : memref<1x4096xf32, #tpu.memory_space<vmem>> -> memref<4096xf32, #tpu.memory_space<vmem>>
      %dma_wait3A_240 = arith.constant 0 : i32
      %dma_wait3A_241 = tpu.memref_slice %arg4[%dma_wait3A_240] : memref<2684354xf32, #tpu.memory_space<hbm>> -> memref<4096xf32, #tpu.memory_space<hbm>>
      tpu.wait_dma2 semaphore(%dma_wait3A_236 : memref<!tpu.dma_semaphore, #tpu.memory_space<semaphore_mem>>) src(%dma_wait3A_241 : memref<4096xf32, #tpu.memory_space<hbm>>) dst(%dma_wait3A_239 : memref<4096xf32, #tpu.memory_space<vmem>>)
      %parallel_loop3A_242 = arith.constant 0 : i32
      %parallel_loop3A_243 = arith.constant 256 : i32
      %parallel_loop3A_244 = arith.constant 1 : i32
      scf.for %parallel_loop3A_251 = %parallel_loop3A_242 to %parallel_loop3A_243 step %parallel_loop3A_244  : i32 {
        %parallel_loop3A_252 = arith.constant 16 : i32
        %parallel_loop3A_253 = arith.muli %parallel_loop3A_251, %parallel_loop3A_252 : i32
        %parallel_loop3A_254 = arith.index_cast %rem3A_205 : i32 to index
        %parallel_loop3A_255 = arith.index_cast %parallel_loop3A_253 : i32 to index
        %parallel_loop3A_256 = tpu.vector_load %arg10[%parallel_loop3A_254, %parallel_loop3A_255] {strides = array<i32>} : memref<4x4096xi32, #tpu.memory_space<vmem>>, vector<16xi32>,
        %parallel_loop3A_257 = tpu.vector_load_idx %arg7[%parallel_loop3A_256] : memref<16384xf32, #tpu.memory_space<vmem>>[vector<16xi32>], vector<16xf32>,
        %parallel_loop3A_258 = arith.index_cast %rem3A_205 : i32 to index
        %parallel_loop3A_259 = arith.index_cast %parallel_loop3A_253 : i32 to index
        %parallel_loop3A_260 = tpu.vector_load %arg9[%parallel_loop3A_258, %parallel_loop3A_259] {strides = array<i32>} : memref<4x4096xi32, #tpu.memory_space<vmem>>, vector<16xi32>,
        %parallel_loop3A_261 = arith.index_cast %rem3A_205 : i32 to index
        %parallel_loop3A_262 = arith.index_cast %parallel_loop3A_253 : i32 to index
        %parallel_loop3A_263 = tpu.vector_load %arg11[%parallel_loop3A_261, %parallel_loop3A_262] {strides = array<i32>} : memref<4x4096xf32, #tpu.memory_space<vmem>>, vector<16xf32>,
        %parallel_loop3A_264 = arith.mulf %parallel_loop3A_263, %parallel_loop3A_257 : vector<16xf32>
        tpu.vector_store_idx %arg8[%parallel_loop3A_260], %parallel_loop3A_264 {add = true} : memref<16384xf32, #tpu.memory_space<vmem>>[vector<16xi32>], vector<16xf32>,
      } {sc.loop_unroll_factor = 8 : i64, sc.parallel_access}
      %add3A_245 = arith.constant 4 : i32
      %add3A_246 = arith.addi %while3A_204, %add3A_245 : i32
      %lt3A_247 = arith.cmpi slt, %add3A_246, %select_n3A : i32
      %convert_element_type3A_248 = arith.extui %lt3A_247 : i1 to i32
      %cond3A_249 = arith.constant 0 : i32
      %cond3A_250 = arith.cmpi ne, %convert_element_type3A_248, %cond3A_249 : i32
      scf.if %cond3A_250 {
        %add3A_251 = arith.constant 4 : i32
        %add3A_252 = arith.addi %while3A_204, %add3A_251 : i32
        %mul3A_253 = arith.constant 4096 : i32
        %mul3A_254 = arith.muli %add3A_252, %mul3A_253 : i32
        %add3A_255 = arith.addi %mul3A_25, %mul3A_254 : i32
        %dma_start3A_256 = arith.constant 0 : i32
        %dma_start3A_257 = tpu.memref_slice %arg9[%rem3A_205, %dma_start3A_256] : memref<4x4096xi32, #tpu.memory_space<vmem>> -> memref<1x4096xi32, #tpu.memory_space<vmem>>
        %dma_start3A_258 = tpu.memref_squeeze %dma_start3A_257 : memref<1x4096xi32, #tpu.memory_space<vmem>> -> memref<4096xi32, #tpu.memory_space<vmem>>
        %dma_start3A_259 = tpu.memref_slice %arg2[%add3A_255] : memref<2684354xi32, #tpu.memory_space<hbm>> -> memref<4096xi32, #tpu.memory_space<hbm>>
        %dma_start3A_260 = tpu.memref_slice %arg15[%rem3A_205] : memref<4x!tpu.dma_semaphore, #tpu.memory_space<semaphore_mem>> -> memref<1x!tpu.dma_semaphore, #tpu.memory_space<semaphore_mem>>
        %dma_start3A_261 = tpu.memref_squeeze %dma_start3A_260 : memref<1x!tpu.dma_semaphore, #tpu.memory_space<semaphore_mem>> -> memref<!tpu.dma_semaphore, #tpu.memory_space<semaphore_mem>>
        %dma_start3A_262 = arith.constant 0 : i32
        %dma_start3A_263 = tpu.memref_slice %arg9[%rem3A_205, %dma_start3A_262] : memref<4x4096xi32, #tpu.memory_space<vmem>> -> memref<1x4096xi32, #tpu.memory_space<vmem>>
        %dma_start3A_264 = tpu.memref_squeeze %dma_start3A_263 : memref<1x4096xi32, #tpu.memory_space<vmem>> -> memref<4096xi32, #tpu.memory_space<vmem>>
        %dma_start3A_265 = tpu.memref_slice %arg2[%add3A_255] : memref<2684354xi32, #tpu.memory_space<hbm>> -> memref<4096xi32, #tpu.memory_space<hbm>>
        tpu.enqueue_dma source(%dma_start3A_265 : memref<4096xi32, #tpu.memory_space<hbm>>) target(%dma_start3A_264 : memref<4096xi32, #tpu.memory_space<vmem>>) target_semaphore(%dma_start3A_261 : memref<!tpu.dma_semaphore, #tpu.memory_space<semaphore_mem>>)
        %dma_start3A_266 = arith.constant 0 : i32
        %dma_start3A_267 = tpu.memref_slice %arg10[%rem3A_205, %dma_start3A_266] : memref<4x4096xi32, #tpu.memory_space<vmem>> -> memref<1x4096xi32, #tpu.memory_space<vmem>>
        %dma_start3A_268 = tpu.memref_squeeze %dma_start3A_267 : memref<1x4096xi32, #tpu.memory_space<vmem>> -> memref<4096xi32, #tpu.memory_space<vmem>>
        %dma_start3A_269 = tpu.memref_slice %arg3[%add3A_255] : memref<2684354xi32, #tpu.memory_space<hbm>> -> memref<4096xi32, #tpu.memory_space<hbm>>
        %dma_start3A_270 = tpu.memref_slice %arg15[%rem3A_205] : memref<4x!tpu.dma_semaphore, #tpu.memory_space<semaphore_mem>> -> memref<1x!tpu.dma_semaphore, #tpu.memory_space<semaphore_mem>>
        %dma_start3A_271 = tpu.memref_squeeze %dma_start3A_270 : memref<1x!tpu.dma_semaphore, #tpu.memory_space<semaphore_mem>> -> memref<!tpu.dma_semaphore, #tpu.memory_space<semaphore_mem>>
        %dma_start3A_272 = arith.constant 0 : i32
        %dma_start3A_273 = tpu.memref_slice %arg10[%rem3A_205, %dma_start3A_272] : memref<4x4096xi32, #tpu.memory_space<vmem>> -> memref<1x4096xi32, #tpu.memory_space<vmem>>
        %dma_start3A_274 = tpu.memref_squeeze %dma_start3A_273 : memref<1x4096xi32, #tpu.memory_space<vmem>> -> memref<4096xi32, #tpu.memory_space<vmem>>
        %dma_start3A_275 = tpu.memref_slice %arg3[%add3A_255] : memref<2684354xi32, #tpu.memory_space<hbm>> -> memref<4096xi32, #tpu.memory_space<hbm>>
        tpu.enqueue_dma source(%dma_start3A_275 : memref<4096xi32, #tpu.memory_space<hbm>>) target(%dma_start3A_274 : memref<4096xi32, #tpu.memory_space<vmem>>) target_semaphore(%dma_start3A_271 : memref<!tpu.dma_semaphore, #tpu.memory_space<semaphore_mem>>)
        %dma_start3A_276 = arith.constant 0 : i32
        %dma_start3A_277 = tpu.memref_slice %arg11[%rem3A_205, %dma_start3A_276] : memref<4x4096xf32, #tpu.memory_space<vmem>> -> memref<1x4096xf32, #tpu.memory_space<vmem>>
        %dma_start3A_278 = tpu.memref_squeeze %dma_start3A_277 : memref<1x4096xf32, #tpu.memory_space<vmem>> -> memref<4096xf32, #tpu.memory_space<vmem>>
        %dma_start3A_279 = tpu.memref_slice %arg4[%add3A_255] : memref<2684354xf32, #tpu.memory_space<hbm>> -> memref<4096xf32, #tpu.memory_space<hbm>>
        %dma_start3A_280 = tpu.memref_slice %arg15[%rem3A_205] : memref<4x!tpu.dma_semaphore, #tpu.memory_space<semaphore_mem>> -> memref<1x!tpu.dma_semaphore, #tpu.memory_space<semaphore_mem>>
        %dma_start3A_281 = tpu.memref_squeeze %dma_start3A_280 : memref<1x!tpu.dma_semaphore, #tpu.memory_space<semaphore_mem>> -> memref<!tpu.dma_semaphore, #tpu.memory_space<semaphore_mem>>
        %dma_start3A_282 = arith.constant 0 : i32
        %dma_start3A_283 = tpu.memref_slice %arg11[%rem3A_205, %dma_start3A_282] : memref<4x4096xf32, #tpu.memory_space<vmem>> -> memref<1x4096xf32, #tpu.memory_space<vmem>>
        %dma_start3A_284 = tpu.memref_squeeze %dma_start3A_283 : memref<1x4096xf32, #tpu.memory_space<vmem>> -> memref<4096xf32, #tpu.memory_space<vmem>>
        %dma_start3A_285 = tpu.memref_slice %arg4[%add3A_255] : memref<2684354xf32, #tpu.memory_space<hbm>> -> memref<4096xf32, #tpu.memory_space<hbm>>
        tpu.enqueue_dma source(%dma_start3A_285 : memref<4096xf32, #tpu.memory_space<hbm>>) target(%dma_start3A_284 : memref<4096xf32, #tpu.memory_space<vmem>>) target_semaphore(%dma_start3A_281 : memref<!tpu.dma_semaphore, #tpu.memory_space<semaphore_mem>>)
      } else {
      }
    }
    %ge3A = arith.constant 0 : i32
    %ge3A_188 = arith.cmpi sge, %arg1, %ge3A : i32
    %jit3A = arith.constant 2682880 : i32
    %jit3A_189 = arith.constant 0 : i32
    %select_n3A_190 = arith.select %ge3A_188, %jit3A, %jit3A_189 : i32
    %multiple_of3A = tpu.assume_multiple %select_n3A_190, 4096 : i32
    %dma_start3A_191 = tpu.memref_slice %arg2[%multiple_of3A] : memref<2684354xi32, #tpu.memory_space<hbm>> -> memref<1472xi32, #tpu.memory_space<hbm>>
    %dma_start3A_192 = tpu.memref_slice %arg2[%multiple_of3A] : memref<2684354xi32, #tpu.memory_space<hbm>> -> memref<1472xi32, #tpu.memory_space<hbm>>
    tpu.enqueue_dma source(%dma_start3A_192 : memref<1472xi32, #tpu.memory_space<hbm>>) target(%arg12 : memref<1472xi32, #tpu.memory_space<vmem>>) target_semaphore(%arg16 : memref<!tpu.dma_semaphore, #tpu.memory_space<semaphore_mem>>)
    %dma_wait3A = tpu.memref_slice %arg2[%multiple_of3A] : memref<2684354xi32, #tpu.memory_space<hbm>> -> memref<1472xi32, #tpu.memory_space<hbm>>
    %dma_wait3A_193 = tpu.memref_slice %arg2[%multiple_of3A] : memref<2684354xi32, #tpu.memory_space<hbm>> -> memref<1472xi32, #tpu.memory_space<hbm>>
    tpu.wait_dma2 semaphore(%arg16 : memref<!tpu.dma_semaphore, #tpu.memory_space<semaphore_mem>>) src(%dma_wait3A_193 : memref<1472xi32, #tpu.memory_space<hbm>>) dst(%arg12 : memref<1472xi32, #tpu.memory_space<vmem>>)
    %dma_start3A_194 = tpu.memref_slice %arg3[%multiple_of3A] : memref<2684354xi32, #tpu.memory_space<hbm>> -> memref<1472xi32, #tpu.memory_space<hbm>>
    %dma_start3A_195 = tpu.memref_slice %arg3[%multiple_of3A] : memref<2684354xi32, #tpu.memory_space<hbm>> -> memref<1472xi32, #tpu.memory_space<hbm>>
    tpu.enqueue_dma source(%dma_start3A_195 : memref<1472xi32, #tpu.memory_space<hbm>>) target(%arg13 : memref<1472xi32, #tpu.memory_space<vmem>>) target_semaphore(%arg16 : memref<!tpu.dma_semaphore, #tpu.memory_space<semaphore_mem>>)
    %dma_wait3A_196 = tpu.memref_slice %arg3[%multiple_of3A] : memref<2684354xi32, #tpu.memory_space<hbm>> -> memref<1472xi32, #tpu.memory_space<hbm>>
    %dma_wait3A_197 = tpu.memref_slice %arg3[%multiple_of3A] : memref<2684354xi32, #tpu.memory_space<hbm>> -> memref<1472xi32, #tpu.memory_space<hbm>>
    tpu.wait_dma2 semaphore(%arg16 : memref<!tpu.dma_semaphore, #tpu.memory_space<semaphore_mem>>) src(%dma_wait3A_197 : memref<1472xi32, #tpu.memory_space<hbm>>) dst(%arg13 : memref<1472xi32, #tpu.memory_space<vmem>>)
    %dma_start3A_198 = tpu.memref_slice %arg4[%multiple_of3A] : memref<2684354xf32, #tpu.memory_space<hbm>> -> memref<1472xf32, #tpu.memory_space<hbm>>
    %dma_start3A_199 = tpu.memref_slice %arg4[%multiple_of3A] : memref<2684354xf32, #tpu.memory_space<hbm>> -> memref<1472xf32, #tpu.memory_space<hbm>>
    tpu.enqueue_dma source(%dma_start3A_199 : memref<1472xf32, #tpu.memory_space<hbm>>) target(%arg14 : memref<1472xf32, #tpu.memory_space<vmem>>) target_semaphore(%arg16 : memref<!tpu.dma_semaphore, #tpu.memory_space<semaphore_mem>>)
    %dma_wait3A_200 = tpu.memref_slice %arg4[%multiple_of3A] : memref<2684354xf32, #tpu.memory_space<hbm>> -> memref<1472xf32, #tpu.memory_space<hbm>>
    %dma_wait3A_201 = tpu.memref_slice %arg4[%multiple_of3A] : memref<2684354xf32, #tpu.memory_space<hbm>> -> memref<1472xf32, #tpu.memory_space<hbm>>
    tpu.wait_dma2 semaphore(%arg16 : memref<!tpu.dma_semaphore, #tpu.memory_space<semaphore_mem>>) src(%dma_wait3A_201 : memref<1472xf32, #tpu.memory_space<hbm>>) dst(%arg14 : memref<1472xf32, #tpu.memory_space<vmem>>)
    %convert_element_type3A_202 = arith.extui %and3A : i1 to i32
    %cond3A = arith.constant 0 : i32
    %cond3A_203 = arith.cmpi ne, %convert_element_type3A_202, %cond3A : i32
    scf.if %cond3A_203 {
      %parallel_loop3A_204 = arith.constant 0 : i32
      %parallel_loop3A_205 = arith.constant 92 : i32
      %parallel_loop3A_206 = arith.constant 1 : i32
      scf.for %parallel_loop3A_207 = %parallel_loop3A_204 to %parallel_loop3A_205 step %parallel_loop3A_206  : i32 {
        %parallel_loop3A_208 = arith.constant 16 : i32
        %parallel_loop3A_209 = arith.muli %parallel_loop3A_207, %parallel_loop3A_208 : i32
        %parallel_loop3A_210 = arith.index_cast %parallel_loop3A_209 : i32 to index
        %parallel_loop3A_211 = tpu.vector_load %arg13[%parallel_loop3A_210] {strides = array<i32>} : memref<1472xi32, #tpu.memory_space<vmem>>, vector<16xi32>,
        %parallel_loop3A_212 = tpu.vector_load_idx %arg7[%parallel_loop3A_211] : memref<16384xf32, #tpu.memory_space<vmem>>[vector<16xi32>], vector<16xf32>,
        %parallel_loop3A_213 = arith.index_cast %parallel_loop3A_209 : i32 to index
        %parallel_loop3A_214 = tpu.vector_load %arg12[%parallel_loop3A_213] {strides = array<i32>} : memref<1472xi32, #tpu.memory_space<vmem>>, vector<16xi32>,
        %parallel_loop3A_215 = arith.index_cast %parallel_loop3A_209 : i32 to index
        %parallel_loop3A_216 = tpu.vector_load %arg14[%parallel_loop3A_215] {strides = array<i32>} : memref<1472xf32, #tpu.memory_space<vmem>>, vector<16xf32>,
        %parallel_loop3A_217 = arith.mulf %parallel_loop3A_216, %parallel_loop3A_212 : vector<16xf32>
        tpu.vector_store_idx %arg8[%parallel_loop3A_214], %parallel_loop3A_217 {add = true} : memref<16384xf32, #tpu.memory_space<vmem>>[vector<16xi32>], vector<16xf32>,
      } {sc.loop_unroll_factor = 4 : i64, sc.parallel_access}
    } else {
    }
    "tpu.region"() ({
      %run_scoped3A = tpu.sem_alloc : memref<!tpu.dma_semaphore, #tpu.memory_space<semaphore_mem>>
      %dma_start3A_204 = arith.constant 0 : i32
      %dma_start3A_205 = tpu.memref_slice %arg6[%add3A, %dma_start3A_204] : memref<32x16384xf32, #tpu.memory_space<hbm>> -> memref<1x16384xf32, #tpu.memory_space<hbm>>
      %dma_start3A_206 = tpu.memref_squeeze %dma_start3A_205 : memref<1x16384xf32, #tpu.memory_space<hbm>> -> memref<16384xf32, #tpu.memory_space<hbm>>
      %dma_start3A_207 = arith.constant 0 : i32
      %dma_start3A_208 = tpu.memref_slice %arg6[%add3A, %dma_start3A_207] : memref<32x16384xf32, #tpu.memory_space<hbm>> -> memref<1x16384xf32, #tpu.memory_space<hbm>>
      %dma_start3A_209 = tpu.memref_squeeze %dma_start3A_208 : memref<1x16384xf32, #tpu.memory_space<hbm>> -> memref<16384xf32, #tpu.memory_space<hbm>>
      tpu.enqueue_dma source(%arg8 : memref<16384xf32, #tpu.memory_space<vmem>>) target(%dma_start3A_209 : memref<16384xf32, #tpu.memory_space<hbm>>) target_semaphore(%run_scoped3A : memref<!tpu.dma_semaphore, #tpu.memory_space<semaphore_mem>>)
      %dma_wait3A_210 = arith.constant 0 : i32
      %dma_wait3A_211 = tpu.memref_slice %arg6[%add3A, %dma_wait3A_210] : memref<32x16384xf32, #tpu.memory_space<hbm>> -> memref<1x16384xf32, #tpu.memory_space<hbm>>
      %dma_wait3A_212 = tpu.memref_squeeze %dma_wait3A_211 : memref<1x16384xf32, #tpu.memory_space<hbm>> -> memref<16384xf32, #tpu.memory_space<hbm>>
      %dma_wait3A_213 = arith.constant 0 : i32
      %dma_wait3A_214 = tpu.memref_slice %arg6[%add3A, %dma_wait3A_213] : memref<32x16384xf32, #tpu.memory_space<hbm>> -> memref<1x16384xf32, #tpu.memory_space<hbm>>
      %dma_wait3A_215 = tpu.memref_squeeze %dma_wait3A_214 : memref<1x16384xf32, #tpu.memory_space<hbm>> -> memref<16384xf32, #tpu.memory_space<hbm>>
      tpu.wait_dma2 semaphore(%run_scoped3A : memref<!tpu.dma_semaphore, #tpu.memory_space<semaphore_mem>>) src(%arg8 : memref<16384xf32, #tpu.memory_space<vmem>>) dst(%dma_wait3A_215 : memref<16384xf32, #tpu.memory_space<hbm>>)
      tpu.yield
    }) : () -> ()
    return
  }
}

module attributes {stable_mosaic.version = 14 : i64} {
  func.func @body(%arg0: memref<2xi32, #tpu.memory_space<smem>>, %arg1: memref<2xf32, #tpu.memory_space<smem>>, %arg2: memref<32x16384xf32, #tpu.memory_space<vmem>>, %arg3: memref<16384xf32, #tpu.memory_space<vmem>>, %arg4: memref<16384xf32, #tpu.memory_space<vmem>>, %arg5: memref<16384xf32, #tpu.memory_space<vmem>>) attributes {dimension_semantics = [], scalar_prefetch = 0 : i64, scratch_operands = 0 : i64, tpu.core_type = #tpu.core_type<tc>} {
    %get3A = arith.constant 0 : index
    %get3A_0 = arith.constant 0 : index
    %get3A_1 = vector.load %arg2[%get3A, %get3A_0] : memref<32x16384xf32, #tpu.memory_space<vmem>>, vector<32x16384xf32>
    %reduce_sum3A = arith.constant dense<0.000000e+00> : vector<16384xf32>
    %reduce_sum3A_2 = vector.multi_reduction <add>, %get3A_1, %reduce_sum3A [0] : vector<32x16384xf32> to vector<16384xf32>
    %iota3A = tpu.iota {dimensions = array<i32: 1>} : vector<1x16384xi32>
    %iota3A_3 = vector.shape_cast %iota3A : vector<1x16384xi32> to vector<16384xi32>
    %get3A_4 = arith.constant 0 : index
    %get3A_5 = memref.load %arg0[%get3A_4] : memref<2xi32, #tpu.memory_space<smem>>
    %eq3A = vector.broadcast %get3A_5 : i32 to vector<16384xi32>
    %eq3A_6 = arith.cmpi eq, %iota3A_3, %eq3A : vector<16384xi32>
    %get3A_7 = arith.constant 0 : index
    %get3A_8 = memref.load %arg1[%get3A_7] : memref<2xf32, #tpu.memory_space<smem>>
    %jit3A = arith.constant 0.000000e+00 : f32
    %broadcast_in_dim3A = vector.broadcast %get3A_8 : f32 to vector<16384xf32>
    %broadcast_in_dim3A_9 = vector.broadcast %jit3A : f32 to vector<16384xf32>
    %select_n3A = arith.select %eq3A_6, %broadcast_in_dim3A, %broadcast_in_dim3A_9 : vector<16384xi1>, vector<16384xf32>
    %add3A = arith.addf %reduce_sum3A_2, %select_n3A : vector<16384xf32>
    %get3A_10 = arith.constant 1 : index
    %get3A_11 = memref.load %arg0[%get3A_10] : memref<2xi32, #tpu.memory_space<smem>>
    %eq3A_12 = vector.broadcast %get3A_11 : i32 to vector<16384xi32>
    %eq3A_13 = arith.cmpi eq, %iota3A_3, %eq3A_12 : vector<16384xi32>
    %get3A_14 = arith.constant 1 : index
    %get3A_15 = memref.load %arg1[%get3A_14] : memref<2xf32, #tpu.memory_space<smem>>
    %jit3A_16 = arith.constant 0.000000e+00 : f32
    %broadcast_in_dim3A_17 = vector.broadcast %get3A_15 : f32 to vector<16384xf32>
    %broadcast_in_dim3A_18 = vector.broadcast %jit3A_16 : f32 to vector<16384xf32>
    %select_n3A_19 = arith.select %eq3A_13, %broadcast_in_dim3A_17, %broadcast_in_dim3A_18 : vector<16384xi1>, vector<16384xf32>
    %add3A_20 = arith.addf %add3A, %select_n3A_19 : vector<16384xf32>
    %get3A_21 = arith.constant 0 : index
    %get3A_22 = vector.load %arg3[%get3A_21] : memref<16384xf32, #tpu.memory_space<vmem>>, vector<16384xf32>
    %add3A_23 = arith.addf %add3A_20, %get3A_22 : vector<16384xf32>
    %add3A_24 = arith.constant 1.600000e+00 : f32
    %add3A_25 = vector.broadcast %add3A_24 : f32 to vector<16384xf32>
    %add3A_26 = arith.addf %add3A_23, %add3A_25 : vector<16384xf32>
    %tanh3A = math.tanh %add3A_26 : vector<16384xf32>
    %mul3A = arith.constant 6.000000e-01 : f32
    %mul3A_27 = vector.broadcast %mul3A : f32 to vector<16384xf32>
    %mul3A_28 = arith.mulf %mul3A_27, %tanh3A : vector<16384xf32>
    %get3A_29 = arith.constant 0 : index
    %get3A_30 = vector.load %arg4[%get3A_29] : memref<16384xf32, #tpu.memory_space<vmem>>, vector<16384xf32>
    %mul3A_31 = arith.constant 4.000000e-01 : f32
    %mul3A_32 = vector.broadcast %mul3A_31 : f32 to vector<16384xf32>
    %mul3A_33 = arith.mulf %mul3A_32, %get3A_30 : vector<16384xf32>
    %add3A_34 = arith.addf %mul3A_28, %mul3A_33 : vector<16384xf32>
    %swap3A = arith.constant 0 : index
    %swap3A_35 = vector.load %arg5[%swap3A] : memref<16384xf32, #tpu.memory_space<vmem>>, vector<16384xf32>
    tpu.vector_store %arg5[%swap3A], %add3A_34 {strides = array<i32>} : memref<16384xf32, #tpu.memory_space<vmem>>, vector<16384xf32>,
    return
  }
}

</mosaic_0001>

<sc_bundles>
// kernel: kernel.4.cloned.1.call-start
scs
__scs_entry_jumppad:
0x0: {  	(pc) =	sbr.rel $0x88, $3  }
0x1: {  	(tag) =	ssettag $0x0;
	lr =	simm.s32 $0x1  }
0x2: {  	[smem:$0x3F9C] =	sst lr;
	_ =	strace $0xD0000000  }
0x3: {  	_ = 	snop  }
0x4: {  	_ = 	snop  }
0x5: {  	_ = 	snop  }
0x6: {  	_ = 	snop  }
0x7: {  	_ = 	snop  }
__scs_overlays_trampoline_lowered:
0x8: {  	[smem:$0x3FAB] =	sst s0  }
0x9: {  	[smem:$0x3FAC] =	sst s1  }
0xa: {  	[smem:$0x3FAD] =	sst s2  }
0xb: {  	[smem:$0x3FAE] =	sst s3  }
0xc: {  	[smem:$0x3FAF] =	sst s4  }
0xd: {  	[smem:$0x3FB0] =	sst s5  }
0xe: {  	[smem:$0x3FB1] =	sst s6  }
0xf: {  	[smem:$0x3FB2] =	sst s7  }
0x10: {  	[smem:$0x3FB3] =	sst s8  }
0x11: {  	[smem:$0x3FB4] =	sst s9;
	s0 =	simm.s32 @!p0 $0x0  }
0x12: {  	s1 =	sld [smem:$0x3F9A];
	s0 =	simm.s32 @p0 $0x1  }
0x13: {  	[smem:$0x3FB5] =	sst s0;
	s0 =	simm.s32 @!p1 $0x0  }
0x14: {  	s2 =	sld [smem:$0x3F99];
	s0 =	simm.s32 @p1 $0x1  }
0x15: {  	[smem:$0x3FB6] =	sst s0;
	s0 =	simm.s32 @!p2 $0x0  }
0x16: {  	s3 =	sld [smem:$0x3FDB];
	s0 =	simm.s32 @p2 $0x1  }
0x17: {  	s4 =	simm.s32 $0x1BF5;
	[smem:$0x3FB8] =	sst s0  }
0x18: {  	s0 =	sld [smem:$0x3F9B];
	_ =	swait.ge [sflag:s4], $0x0  }
0x19: {  	s7 =	sld [smem:$0x3F9C]  }
0x1a: {  	s8 =	sadd.s32 $0xFFFFE003, lr  }
0x1b: {  	s9 =	sadd.s32 $0xFFFFFEF7, lr;
	s5 =	simm.s32 $0xFFFFFFFF;
	p2 =	slt.u32 s8, $0xFFFFF086  }
0x1c: {  	p1 =	slt.u32 s9, $0xF7A;
	s5 =	simm.s32 @!p2 $0x0  }
0x1d: {  	s5 =	simm.s32 @p1 $0x1;
	p0 =	seq.s32 s7, s2  }
0x1e: {  	s7 =	smul.u32 @!p0 $0xF7A, s2;
	p2 =	seq.s32 @!p0 s5, $0x0  }
0x1f: {  	s9 =	smul.u32 $0xF7A, s1;
	s8 =	simm.s32 @!p0 $0x1BF5;
	p2 =	por !p2, p0  }
0x20: {  	[sflag:s8] =	ssyncset.s32 @!p0 $0xFFFFF086;
	s6 =	sadd.s32 @!p0 s3, s7;
	s7 =	simm.s32 @!p0 $0x108  }
0x21: {  	s3 =	sadd.s32 s3, s9;
	s6 =	sadd.s32 @!p0 $0x88, s6;
	s7 =	simm.s32 @p2 $0x1082  }
0x22: {  	[simem:s7], [sflag:s8] =	dma.local @!p0 [hbm:s6], $0xF7A  }
0x23: {  	s9 =	sor.u32 $0xD0000000, s2;
	s6 =	simm.s32 $0x108;
	_ =	swait.ge @!p0 [sflag:s8], $0x0  }
0x24: {  	s3 =	sadd.s32 $0x88, s3;
	s6 =	simm.s32 @!p1 $0x1082;
	[sflag:s4] =	ssyncset.s32 $0xFFFFF086  }
0x25: {  	[simem:s6], [sflag:s4] =	dma.local [hbm:s3], $0xF7A  }
0x26: {  	[smem:$0x3F9C] =	sst s1;
	(tag) =	ssettag s2;
	_ =	strace s9  }
0x27: {  	s1 =	sld [smem:$0x3FAC]  }
0x28: {  	s2 =	sld [smem:$0x3FAD]  }
0x29: {  	s4 =	sld [smem:$0x3FAF]  }
0x2a: {  	p0 =	seq.s32 s5, $0x0;
	s5 =	sld [smem:$0x3FB0]  }
0x2b: {  	s6 =	sld [smem:$0x3FB1]  }
0x2c: {  	s7 =	sld [smem:$0x3FB2]  }
0x2d: {  	s3 =	simm.s32 $0x108;
	s8 =	sld [smem:$0x3FB3]  }
0x2e: {  	s3 =	simm.s32 @!p0 $0x1082;
	s9 =	sld [smem:$0x3FB4]  }
0x2f: {  	lr =	sadd.s32 s0, s3;
	s0 =	sld [smem:$0x3FAB]  }
0x30: {  	s3 =	sld [smem:$0x3FAE]  }
0x31: {  	[smem:$0x3FB7] =	sst s10  }
0x32: {  	s10 =	sld [smem:$0x3FB5];
	_ =	sdelay $0x3  }
0x33: {  	p0 =	seq.s32 s10, $0x1;
	s10 =	sld [smem:$0x3FB7];
	_ =	sdelay $0x3  }
0x34: {  	[smem:$0x3FB7] =	sst s10  }
0x35: {  	s10 =	sld [smem:$0x3FB6];
	_ =	sdelay $0x3  }
0x36: {  	p1 =	seq.s32 s10, $0x1;
	s10 =	sld [smem:$0x3FB7];
	_ =	sdelay $0x3  }
0x37: {  	[smem:$0x3FB7] =	sst s10  }
0x38: {  	s10 =	sld [smem:$0x3FB8]  }
0x39: {  	_ = 	snop;
	(pc) =	sbr.ind lr, $3  }
0x3a: {  	_ = 	snop  }
0x3b: {  	_ = 	snop  }
0x3c: {  	p2 =	seq.s32 s10, $0x1;
	s10 =	sld [smem:$0x3FB7]  }
0x3d: {  	_ =	shalt  }
0x3e: {  	_ =	shalt  }
0x3f: {  	_ =	shalt  }
0x40: {  	_ =	shalt  }
0x41: {  	_ =	shalt  }
0x42: {  	_ =	shalt  }
0x43: {  	_ =	shalt  }
0x44: {  	_ =	shalt  }
0x45: {  	_ =	shalt  }
0x46: {  	_ =	shalt  }
0x47: {  	_ =	shalt  }
0x48: {  	_ =	shalt  }
0x49: {  	_ =	shalt  }
0x4a: {  	_ =	shalt  }
0x4b: {  	_ =	shalt  }
0x4c: {  	_ =	shalt  }
0x4d: {  	_ =	shalt  }
0x4e: {  	_ =	shalt  }
0x4f: {  	_ =	shalt  }
0x50: {  	_ =	shalt  }
0x51: {  	_ =	shalt  }
0x52: {  	_ =	shalt  }
0x53: {  	_ =	shalt  }
0x54: {  	_ =	shalt  }
0x55: {  	_ =	shalt  }
0x56: {  	_ =	shalt  }
0x57: {  	_ =	shalt  }
0x58: {  	_ =	shalt  }
0x59: {  	_ =	shalt  }
0x5a: {  	_ =	shalt  }
0x5b: {  	_ =	shalt  }
0x5c: {  	_ =	shalt  }
0x5d: {  	_ =	shalt  }
0x5e: {  	_ =	shalt  }
0x5f: {  	_ =	shalt  }
0x60: {  	_ =	shalt  }
0x61: {  	_ =	shalt  }
0x62: {  	_ =	shalt  }
0x63: {  	_ =	shalt  }
0x64: {  	_ =	shalt  }
0x65: {  	_ =	shalt  }
0x66: {  	_ =	shalt  }
0x67: {  	_ =	shalt  }
0x68: {  	_ =	shalt  }
0x69: {  	_ =	shalt  }
0x6a: {  	_ =	shalt  }
0x6b: {  	_ =	shalt  }
0x6c: {  	_ =	shalt  }
0x6d: {  	_ =	shalt  }
0x6e: {  	_ =	shalt  }
0x6f: {  	_ =	shalt  }
0x70: {  	_ =	shalt  }
0x71: {  	_ =	shalt  }
0x72: {  	_ =	shalt  }
0x73: {  	_ =	shalt  }
0x74: {  	_ =	shalt  }
0x75: {  	_ =	shalt  }
0x76: {  	_ =	shalt  }
0x77: {  	_ =	shalt  }
0x78: {  	_ =	shalt  }
0x79: {  	_ =	shalt  }
0x7a: {  	_ =	shalt  }
0x7b: {  	_ =	shalt  }
0x7c: {  	_ =	shalt  }
0x7d: {  	_ =	shalt  }
0x7e: {  	_ =	shalt  }
0x7f: {  	_ =	shalt  }
0x80: {  	_ =	shalt  }
0x81: {  	_ =	shalt  }
0x82: {  	_ =	shalt  }
0x83: {  	_ =	shalt  }
0x84: {  	_ =	shalt  }
0x85: {  	_ =	shalt  }
0x86: {  	_ =	shalt  }
0x87: {  	_ =	shalt  }
.Lfunc_end0:
.L_simem_size_0:
called_computation_lowered:
.L_overlay_start_0:
0x88: {  	s2 =	sld [smem:$0x3FD9]  }
0x89: {  	s3 =	sld [smem:$0x3FFE];
	_ =	sdelay $0x1  }
0x8a: {  	s1 =	srdreg.scid  }
0x8b: {  	s0 =	sand.u32 $0x1, s1  }
0x8c: {  	s17 =	sshll.u32 s0, $0xA;
	s2 =	sadd.s32 s3, s2  }
0x8d: {  	s2 =	sadd.s32 s2, s17  }
0x8e: {  	[smem:$0x3FC3] =	sst s2  }
0x8f: {  	_ = 	snop  }
0x90: {  	s2 =	sld [smem:$0x3FC8]  }
0x91: {  	s18 =	sld [smem:$0x3FC7]  }
0x92: {  	s4 =	sld [smem:$0x3FC6]  }
0x93: {  	s5 =	sld [smem:$0x3FC5];
	(tm) =	ssettm $0x1  }
0x94: {  	s6 =	sld [smem:$0x3FFB];
	_ =	sdelay $0x3  }
0x95: {  	_ =	strace s6  }
0x96: {  	s6 =	sld [smem:$0x3FFC];
	_ =	sdelay $0x3  }
0x97: {  	_ =	strace s6  }
0x98: {  	s6 =	sld [smem:$0x3FFD];
	_ =	sdelay $0x3  }
0x99: {  	_ =	strace s6  }
0x9a: {  	_ =	strace $0x8FFFFFFF  }
0x9b: {  	s19 =	sld [smem:$0x3FDB];
	_ =	sdelay $0x1  }
0x9c: {  	s7 =	simm.s32 $_scs_section_size  }
0x9d: {  	s8 =	simm.s32 $_size__tile_overlayer_lowered;
	s9 =	simm.s32 $_tile_overlayer_lowered  }
0x9e: {  	s22 =	simm.s32 $0x1BFF;
	s21 =	sshll.u32 s9, $0x1;
	s6 =	sadd.s32 s7, s19  }
0x9f: {  	s10 =	simm.s32 $0x0;
	s20 =	sshll.u32 s8, $0x1;
	s8 =	sadd.s32 s21, s6  }
0xa0: {  	[timem:s10], [sflag:s22] =	dma.local [hbm:s8], s20  }
0xa1: {  	_ =	swait.ge [sflag:s22], s20  }
0xa2: {  	s7 =	ssub.s32 $0x0, s20;
	[sflag:s22] =	ssyncset.done $0x0  }
0xa3: {  	[sflag:s22] =	ssyncadd.s32 s7;
	_ =	sdelay $0x1  }
0xa4: {  	s23 =	simm.s32 $0x1B8B  }
0xa5: {  	_ =	swait.ge [sflag:s23], $0x1  }
0xa6: {  	[sflag:s23] =	ssyncset.done $0x0  }
0xa7: {  	s25 =	simm.s32 $0x1B8E;
	s24 =	sld [smem:$0x3FFE];
	[sflag:s23] =	ssyncadd.s32 $0xFFFFFFFF  }
0xa8: {  	s26 =	simm.s32 $execute0_lowered;
	[smem:$0x3FD2] =	sst s25  }
0xa9: {  	s8 =	sshll.u32 s26, $0x1;
	_ =	strace $0x80000046;
	[dreg:$0x1] =	wrdreg $0xFFFFFFFF  }
0xaa: {  	s28 =	simm.s32 $_size_execute0_lowered;
	s6 =	sadd.s32 s6, s8;
	[dreg:$0x0] =	wrdreg $0x0  }
0xab: {  	s8 =	sshll.u32 s28, $0x1;
	[dreg:$0x2] =	wrdreg s6  }
0xac: {  	[dreg:$0x3] =	wrdreg s8  }
0xad: {  	[dreg:$0x4] =	wrdreg $0xC0  }
0xae: {  	_ =	task [dreg:s10], $0x5FFFF  }
0xaf: {  	[dreg:$0x1] =	wrdreg $0xFFFFFFFF  }
0xb0: {  	[dreg:$0x0] =	wrdreg $0x60  }
0xb1: {  	[dreg:$0x2] =	wrdreg s18  }
0xb2: {  	[dreg:$0x3] =	wrdreg s4  }
0xb3: {  	[dreg:$0x4] =	wrdreg s5  }
0xb4: {  	[dreg:$0x5] =	wrdreg s2  }
0xb5: {  	[dreg:$0x6] =	wrdreg s24  }
0xb6: {  	[dreg:$0x7] =	wrdreg $0x9  }
0xb7: {  	_ =	task.clear_ibuf [dreg:s10], $0x8FFFF;
	_ =	strace $0x90000046  }
0xb8: {  	s29 =	simm.s32 $0x9;
	_ =	strace $0x80000048  }
0xb9: {  	_ =	swait.ge [sflag:s29], $0x1  }
0xba: {  	[sflag:s29] =	ssyncadd.s32 $0xFFFFFFFF  }
0xbb: {  	_ =	strace $0x90000048  }
0xbc: {  	_ =	sfence  }
0xbd: {  	s30 =	sld [smem:$0x0];
	_ =	sdelay $0x2  }
0xbe: {  	s31 =	sshll.u32 s1, $0xD;
	s1 =	sshrl.u32 s1, $0x2  }
0xbf: {  	s3 =	sand.u32 $0x4000, s31;
	s1 =	sadd.s32 s1, s30  }
0xc0: {  	s0 =	sor.u32 s3, s0;
	s1 =	sshll.u32 s1, $0x11  }
0xc1: {  	s0 =	sor.u32 s1, s0  }
0xc2: {  	s0 =	sadd.s32 $0x8F2B, s0  }
0xc3: {  	[sflag:s0] =	ssyncadd.remote.s32 $0x1  }
0xc4: {  	_ =	sfence.sel $0xFFFF  }
0xc5: {  	[dreg:$0x0] =	wrdreg $0xFFFFFFFF;
	(pc) =	sbr.abs _section_cstart, $3  }
0xc6: {  	[dreg:$0x1] =	wrdreg $0xFFFFFFFF  }
0xc7: {  	_ =	task.clear_ibuf [dreg:s10], $0x2FFFF;
	_ =	strace $0x9FFFFFFF  }
0xc8: {  	(tm) =	ssettm $0x7FFFFFFF  }
0xc9: {  	_ =	shalt  }
tec
execute0_lowered:
.L_overlay_start_1:
0x0: {  	(tag) =	ssettag $0x1  }
0x1: {  	s1 =	rddreg [dreg:$0x0]  }
0x2: {  	s2 =	rddreg [dreg:$0x1]  }
0x3: {  	s3 =	rddreg [dreg:$0x2]  }
0x4: {  	s0 =	rddreg [dreg:$0x4];
	s4 =	srdreg.scid;
	s5 =	simm.s32 $0x0  }
0x5: {  	s21 =	stileid.u32;
	s10 =	simm.s32 $0x15;
	s28 =	simm.s32 $0x4000  }
0x6: {  	s29 =	simm.s32 $0x0;
	s4 =	sand.u32 $0x1, s4;
	[smem:$0x7FF] =	sst s5  }
0x7: {  	p0 =	seq.s32 s21, $0xF;
	s22 =	smul.u32 $0x14, s21;
	p2 =	slt.u32 s21, $0x7  }
0x8: {  	s23 =	smin.u32 s21, $0x8;
	s9 =	smin.u32 s21, $0x7;
	s20 =	sshll.u32 s21, $0x5  }
0x9: {  	s25 =	sadd.s32 $0x51E00, s1;
	s26 =	sadd.s32 $0x51E00, s2;
	s30 =	sadd.s32 $0x51E00, s3  }
0xa: {  	s6 =	ssub.s32 $0x2, s4;
	_ =	strace $0x80000047;
	s7 =	sshll.u32 s4, $0x4  }
0xb: {  	p1 =	seq.s32 s4, $0x0;
	s10 =	simm.s32 @!p2 $0x14;
	[dreg:$0x6] =	wrdreg s25  }
0xc: {  	p2 =	slt.u32 s21, $0x8;
	s21 =	sshll.u32 s21, $0xC;
	[dreg:$0x7] =	wrdreg s26  }
0xd: {  	[dreg:$0x8] =	wrdreg s30;
	s8 =	sshrl.u32 s6, $0x1;
	s0 =	sadd.s32 s7, s0  }
0xe: {  	p0 =	por !p1, !p0;
	s7 =	simm.s32 $0x15;
	s4 =	sadd.s32 s9, s22  }
0xf: {  	s24 =	sand.u32 $0xC000, s21;
	s6 =	ssub.s32 s6, s8;
	s8 =	sadd.s32 s23, s22  }
0x10: {  	p0 =	por !p0, !p0;
	s7 =	simm.s32 @!p2 $0x14;
	s22 =	sand.u32 $0x60, s20  }
0x11: {  	s8 =	sadd.s32 $0x147, s8;
	s7 =	smov.u32 @p1 s10;
	s0 =	sadd.s32 s22, s0  }
0x12: {  	s31 =	smax.u32 s6, $0x1;
	s22 =	simm.s32 $0x5;
	s8 =	smov.u32 @p1 s4  }
0x13: {  	s0 =	sadd.s32 s24, s0;
	[dreg:$0xa] =	wrdreg s31;
	s4 =	sshll.u32 s8, $0x9  }
0x14: {  	s0 =	sadd.s32 $0xA00, s0;
	s9 =	sadd.s32 s1, s4;
	s14 =	sadd.s32 $0x200, s4  }
.Ltmp0:
0x15: {  	s10 =	sadd.s32 s2, s4;
	s11 =	sadd.s32 s3, s4;
	(pc) =	sbr.rel .LBB2_1-.Ltmp0, $4  }
0x16: {  	s17 =	sadd.s32 $0x400, s4;
	s4 =	sadd.s32 $0x600, s4;
	[dreg:$0x9] =	wrdreg s0  }
0x17: {  	s12 =	sadd.s32 s1, s14;
	s13 =	sadd.s32 s2, s14;
	s14 =	sadd.s32 s3, s14  }
0x18: {  	s15 =	sadd.s32 s1, s17;
	s16 =	sadd.s32 s2, s17;
	s17 =	sadd.s32 s3, s17  }
0x19: {  	v0 =	vimm.f32 $0.0e+00;
	s18 =	sadd.s32 s1, s4;
	s19 =	sadd.s32 s2, s4;
	s20 =	sadd.s32 s3, s4  }
.LBB2_43:
0x1a: {  	s0 =	rddreg [dreg:$0x9]  }
0x1b: {  	s4 =	simm.s32 $0x80;
	s6 =	simm.s32 $0x400;
	s30 =	simm.s32 $0x6  }
0x1c: {  	[hbm4b:s0+s4] =	stream.strided.scatter [tilespmem:s28], [sflag:$0x6], $0x4000, s6, s4, $0x38;
	[tilespmem:$0x15200] =	vst v63  }
0x1d: {  	_ =	swait.ge [sflag:s30], $0x4000  }
0x1e: {  	s29 =	sadd.s32 $0x1, s29;
	s31 =	rddreg [dreg:$0xa]  }
0x1f: {  	p1 =	sne.s32 s29, s31  }
.Ltmp1:
0x20: {  	_ = 	snop;
	(pc) =	sbr.rel @!p1 .LBB2_44-.Ltmp1, $3  }
0x21: {  	_ =	sdelay $0x1  }
0x22: {  	[sflag:s30] =	ssyncset.done $0x0  }
0x23: {  	[sflag:s30] =	ssyncadd.s32 $0xFFFFC000  }
.LBB2_1:
0x24: {  	s0 =	simm.s32 $0x8000  }
0x25: {  	s4 =	simm.s32 $0x10;
	s21 =	sadd.s32 $0x0, s9;
	s6 =	simm.s32 $0x8200  }
.LBB2_2:
0x26: {  	[tilespmem:s0], [sflag:$0x1] =	stream.linear.gather [hbm4b:s21+s5], $0x80, $0x38;
	[tilespmem:$0x15200] =	vst v63  }
0x27: {  	s21 =	smov.u32 s4;
	s0 =	smov.u32 s6;
	p1 =	sne.s32 s4, $0x1F0  }
.Ltmp2:
0x28: {  	s4 =	sadd.s32 $0x10, s4;
	(pc) =	sbr.rel @p1 .LBB2_2-.Ltmp2, $2  }
0x29: {  	_ =	sdelay $0x2  }
0x2a: {  	s6 =	sadd.s32 $0x200, s6;
	s21 =	sadd.s32 s21, s9  }
0x2b: {  	[tilespmem:s0], [sflag:$0x1] =	stream.linear.gather [hbm4b:s21+s5], $0x80, $0x38;
	[tilespmem:$0x15200] =	vst v63  }
0x2c: {  	s0 =	simm.s32 $0xC000  }
0x2d: {  	s4 =	simm.s32 $0x10;
	s21 =	sadd.s32 $0x0, s10;
	s6 =	simm.s32 $0xC200  }
.LBB2_4:
0x2e: {  	[tilespmem:s0], [sflag:$0x1] =	stream.linear.gather [hbm4b:s21+s5], $0x80, $0x38;
	[tilespmem:$0x15200] =	vst v63  }
0x2f: {  	s21 =	smov.u32 s4;
	s0 =	smov.u32 s6;
	p1 =	sne.s32 s4, $0x1F0  }
.Ltmp3:
0x30: {  	s4 =	sadd.s32 $0x10, s4;
	(pc) =	sbr.rel @p1 .LBB2_4-.Ltmp3, $2  }
0x31: {  	_ =	sdelay $0x2  }
0x32: {  	s6 =	sadd.s32 $0x200, s6;
	s21 =	sadd.s32 s21, s10  }
0x33: {  	[tilespmem:s0], [sflag:$0x1] =	stream.linear.gather [hbm4b:s21+s5], $0x80, $0x38;
	[tilespmem:$0x15200] =	vst v63  }
0x34: {  	s0 =	simm.s32 $0x10000  }
0x35: {  	s4 =	simm.s32 $0x10;
	s21 =	sadd.s32 $0x0, s11;
	s6 =	simm.s32 $0x10200  }
.LBB2_6:
0x36: {  	[tilespmem:s0], [sflag:$0x1] =	stream.linear.gather [hbm4b:s21+s5], $0x80, $0x38;
	[tilespmem:$0x15200] =	vst v63  }
0x37: {  	s21 =	smov.u32 s4;
	s0 =	smov.u32 s6;
	p1 =	sne.s32 s4, $0x1F0  }
.Ltmp4:
0x38: {  	s4 =	sadd.s32 $0x10, s4;
	(pc) =	sbr.rel @p1 .LBB2_6-.Ltmp4, $2  }
0x39: {  	_ =	sdelay $0x2  }
0x3a: {  	s6 =	sadd.s32 $0x200, s6;
	s21 =	sadd.s32 s21, s11  }
0x3b: {  	[tilespmem:s0], [sflag:$0x1] =	stream.linear.gather [hbm4b:s21+s5], $0x80, $0x38;
	[tilespmem:$0x15200] =	vst v63  }
0x3c: {  	s0 =	simm.s32 $0x8080  }
0x3d: {  	s4 =	simm.s32 $0x10;
	s21 =	sadd.s32 $0x0, s12;
	s6 =	simm.s32 $0x8280  }
.LBB2_8:
0x3e: {  	[tilespmem:s0], [sflag:$0x2] =	stream.linear.gather [hbm4b:s21+s5], $0x80, $0x38;
	[tilespmem:$0x15200] =	vst v63  }
0x3f: {  	s21 =	smov.u32 s4;
	s0 =	smov.u32 s6;
	p1 =	sne.s32 s4, $0x1F0  }
.Ltmp5:
0x40: {  	s4 =	sadd.s32 $0x10, s4;
	(pc) =	sbr.rel @p1 .LBB2_8-.Ltmp5, $2  }
0x41: {  	_ =	sdelay $0x2  }
0x42: {  	s6 =	sadd.s32 $0x200, s6;
	s21 =	sadd.s32 s21, s12  }
0x43: {  	[tilespmem:s0], [sflag:$0x2] =	stream.linear.gather [hbm4b:s21+s5], $0x80, $0x38;
	[tilespmem:$0x15200] =	vst v63  }
0x44: {  	s0 =	simm.s32 $0xC080  }
0x45: {  	s4 =	simm.s32 $0x10;
	s21 =	sadd.s32 $0x0, s13;
	s6 =	simm.s32 $0xC280  }
.LBB2_10:
0x46: {  	[tilespmem:s0], [sflag:$0x2] =	stream.linear.gather [hbm4b:s21+s5], $0x80, $0x38;
	[tilespmem:$0x15200] =	vst v63  }
0x47: {  	s21 =	smov.u32 s4;
	s0 =	smov.u32 s6;
	p1 =	sne.s32 s4, $0x1F0  }
.Ltmp6:
0x48: {  	s4 =	sadd.s32 $0x10, s4;
	(pc) =	sbr.rel @p1 .LBB2_10-.Ltmp6, $2  }
0x49: {  	_ =	sdelay $0x2  }
0x4a: {  	s6 =	sadd.s32 $0x200, s6;
	s21 =	sadd.s32 s21, s13  }
0x4b: {  	[tilespmem:s0], [sflag:$0x2] =	stream.linear.gather [hbm4b:s21+s5], $0x80, $0x38;
	[tilespmem:$0x15200] =	vst v63  }
0x4c: {  	s0 =	simm.s32 $0x10080  }
0x4d: {  	s4 =	simm.s32 $0x10;
	s21 =	sadd.s32 $0x0, s14;
	s6 =	simm.s32 $0x10280  }
.LBB2_12:
0x4e: {  	[tilespmem:s0], [sflag:$0x2] =	stream.linear.gather [hbm4b:s21+s5], $0x80, $0x38;
	[tilespmem:$0x15200] =	vst v63  }
0x4f: {  	s21 =	smov.u32 s4;
	s0 =	smov.u32 s6;
	p1 =	sne.s32 s4, $0x1F0  }
.Ltmp7:
0x50: {  	s4 =	sadd.s32 $0x10, s4;
	(pc) =	sbr.rel @p1 .LBB2_12-.Ltmp7, $2  }
0x51: {  	_ =	sdelay $0x2  }
0x52: {  	s6 =	sadd.s32 $0x200, s6;
	s21 =	sadd.s32 s21, s14  }
0x53: {  	[tilespmem:s0], [sflag:$0x2] =	stream.linear.gather [hbm4b:s21+s5], $0x80, $0x38;
	[tilespmem:$0x15200] =	vst v63  }
0x54: {  	s0 =	simm.s32 $0x8100  }
0x55: {  	s4 =	simm.s32 $0x10;
	s21 =	sadd.s32 $0x0, s15;
	s6 =	simm.s32 $0x8300  }
.LBB2_14:
0x56: {  	[tilespmem:s0], [sflag:$0x3] =	stream.linear.gather [hbm4b:s21+s5], $0x80, $0x38;
	[tilespmem:$0x15200] =	vst v63  }
0x57: {  	s21 =	smov.u32 s4;
	s0 =	smov.u32 s6;
	p1 =	sne.s32 s4, $0x1F0  }
.Ltmp8:
0x58: {  	s4 =	sadd.s32 $0x10, s4;
	(pc) =	sbr.rel @p1 .LBB2_14-.Ltmp8, $2  }
0x59: {  	_ =	sdelay $0x2  }
0x5a: {  	s6 =	sadd.s32 $0x200, s6;
	s21 =	sadd.s32 s21, s15  }
0x5b: {  	[tilespmem:s0], [sflag:$0x3] =	stream.linear.gather [hbm4b:s21+s5], $0x80, $0x38;
	[tilespmem:$0x15200] =	vst v63  }
0x5c: {  	s0 =	simm.s32 $0xC100  }
0x5d: {  	s4 =	simm.s32 $0x10;
	s21 =	sadd.s32 $0x0, s16;
	s6 =	simm.s32 $0xC300  }
.LBB2_16:
0x5e: {  	[tilespmem:s0], [sflag:$0x3] =	stream.linear.gather [hbm4b:s21+s5], $0x80, $0x38;
	[tilespmem:$0x15200] =	vst v63  }
0x5f: {  	s21 =	smov.u32 s4;
	s0 =	smov.u32 s6;
	p1 =	sne.s32 s4, $0x1F0  }
.Ltmp9:
0x60: {  	s4 =	sadd.s32 $0x10, s4;
	(pc) =	sbr.rel @p1 .LBB2_16-.Ltmp9, $2  }
0x61: {  	_ =	sdelay $0x2  }
0x62: {  	s6 =	sadd.s32 $0x200, s6;
	s21 =	sadd.s32 s21, s16  }
0x63: {  	[tilespmem:s0], [sflag:$0x3] =	stream.linear.gather [hbm4b:s21+s5], $0x80, $0x38;
	[tilespmem:$0x15200] =	vst v63  }
0x64: {  	s0 =	simm.s32 $0x10100  }
0x65: {  	s4 =	simm.s32 $0x10;
	s21 =	sadd.s32 $0x0, s17;
	s6 =	simm.s32 $0x10300  }
.LBB2_18:
0x66: {  	[tilespmem:s0], [sflag:$0x3] =	stream.linear.gather [hbm4b:s21+s5], $0x80, $0x38;
	[tilespmem:$0x15200] =	vst v63  }
0x67: {  	s21 =	smov.u32 s4;
	s0 =	smov.u32 s6;
	p1 =	sne.s32 s4, $0x1F0  }
.Ltmp10:
0x68: {  	s4 =	sadd.s32 $0x10, s4;
	(pc) =	sbr.rel @p1 .LBB2_18-.Ltmp10, $2  }
0x69: {  	_ =	sdelay $0x2  }
0x6a: {  	s6 =	sadd.s32 $0x200, s6;
	s21 =	sadd.s32 s21, s17  }
0x6b: {  	[tilespmem:s0], [sflag:$0x3] =	stream.linear.gather [hbm4b:s21+s5], $0x80, $0x38;
	[tilespmem:$0x15200] =	vst v63  }
0x6c: {  	s0 =	simm.s32 $0x8180  }
0x6d: {  	s4 =	simm.s32 $0x10;
	s21 =	sadd.s32 $0x0, s18;
	s6 =	simm.s32 $0x8380  }
.LBB2_20:
0x6e: {  	[tilespmem:s0], [sflag:$0x4] =	stream.linear.gather [hbm4b:s21+s5], $0x80, $0x38;
	[tilespmem:$0x15200] =	vst v63  }
0x6f: {  	s21 =	smov.u32 s4;
	s0 =	smov.u32 s6;
	p1 =	sne.s32 s4, $0x1F0  }
.Ltmp11:
0x70: {  	s4 =	sadd.s32 $0x10, s4;
	(pc) =	sbr.rel @p1 .LBB2_20-.Ltmp11, $2  }
0x71: {  	_ =	sdelay $0x2  }
0x72: {  	s6 =	sadd.s32 $0x200, s6;
	s21 =	sadd.s32 s21, s18  }
0x73: {  	[tilespmem:s0], [sflag:$0x4] =	stream.linear.gather [hbm4b:s21+s5], $0x80, $0x38;
	[tilespmem:$0x15200] =	vst v63  }
0x74: {  	s0 =	simm.s32 $0xC180  }
0x75: {  	s4 =	simm.s32 $0x10;
	s21 =	sadd.s32 $0x0, s19;
	s6 =	simm.s32 $0xC380  }
.LBB2_22:
0x76: {  	[tilespmem:s0], [sflag:$0x4] =	stream.linear.gather [hbm4b:s21+s5], $0x80, $0x38;
	[tilespmem:$0x15200] =	vst v63  }
0x77: {  	s21 =	smov.u32 s4;
	s0 =	smov.u32 s6;
	p1 =	sne.s32 s4, $0x1F0  }
.Ltmp12:
0x78: {  	s4 =	sadd.s32 $0x10, s4;
	(pc) =	sbr.rel @p1 .LBB2_22-.Ltmp12, $2  }
0x79: {  	_ =	sdelay $0x2  }
0x7a: {  	s6 =	sadd.s32 $0x200, s6;
	s21 =	sadd.s32 s21, s19  }
0x7b: {  	[tilespmem:s0], [sflag:$0x4] =	stream.linear.gather [hbm4b:s21+s5], $0x80, $0x38;
	[tilespmem:$0x15200] =	vst v63  }
0x7c: {  	s0 =	simm.s32 $0x10180  }
0x7d: {  	s4 =	simm.s32 $0x10;
	s21 =	sadd.s32 $0x0, s20;
	s6 =	simm.s32 $0x10380  }
.LBB2_24:
0x7e: {  	[tilespmem:s0], [sflag:$0x4] =	stream.linear.gather [hbm4b:s21+s5], $0x80, $0x38;
	[tilespmem:$0x15200] =	vst v63  }
0x7f: {  	s21 =	smov.u32 s4;
	s0 =	smov.u32 s6;
	p1 =	sne.s32 s4, $0x1F0  }
.Ltmp13:
0x80: {  	s4 =	sadd.s32 $0x10, s4;
	(pc) =	sbr.rel @p1 .LBB2_24-.Ltmp13, $2  }
0x81: {  	_ =	sdelay $0x2  }
0x82: {  	s6 =	sadd.s32 $0x200, s6;
	s21 =	sadd.s32 s21, s20  }
0x83: {  	[tilespmem:s0], [sflag:$0x4] =	stream.linear.gather [hbm4b:s21+s5], $0x80, $0x38;
	[tilespmem:$0x15200] =	vst v63  }
0x84: {  	s31 =	rddreg [dreg:$0x3];
	s0 =	simm.s32 $0x4040  }
0x85: {  	[tilespmem:s5], [sflag:$0x5] =	stream.linear.gather [hbm4b:s31+s5], $0x4000, $0x38;
	[tilespmem:$0x15200] =	vst v63  }
0x86: {  	[tilespmem:s0+$0xFFFFFFC0] =	vst v0  }
0x87: {  	[tilespmem:s0+$0x30] =	vst v0  }
0x88: {  	[tilespmem:s0+$0x20] =	vst v0  }
0x89: {  	[tilespmem:s0+$0x10] =	vst v0  }
0x8a: {  	[tilespmem:s0+$0x0] =	vst v0  }
0x8b: {  	[tilespmem:s0+$0xFFFFFFF0] =	vst v0  }
0x8c: {  	s4 =	simm.s32 $0x0;
	[tilespmem:s0+$0xFFFFFFE0] =	vst v0  }
.LBB2_26:
0x8d: {  	s4 =	sadd.s32 $0x8, s4;
	[tilespmem:s0+$0xFFFFFFD0] =	vst v0;
	s0 =	sadd.s32 $0x80, s0  }
0x8e: {  	[tilespmem:s0+$0xFFFFFFC0] =	vst v0;
	p1 =	slt.u32 s4, $0x3F8  }
0x8f: {  	[tilespmem:s0+$0x30] =	vst v0  }
.Ltmp14:
0x90: {  	[tilespmem:s0+$0x20] =	vst v0;
	(pc) =	sbr.rel @p1 .LBB2_26-.Ltmp14, $4  }
0x91: {  	[tilespmem:s0+$0x10] =	vst v0  }
0x92: {  	[tilespmem:s0+$0x0] =	vst v0  }
0x93: {  	[tilespmem:s0+$0xFFFFFFF0] =	vst v0  }
0x94: {  	[tilespmem:s0+$0xFFFFFFE0] =	vst v0  }
.Ltmp15:
0x95: {  	(pc) =	sbr.rel .LBB2_28-.Ltmp15, $4  }
0x96: {  	[tilespmem:s0+$0xFFFFFFD0] =	vst v0  }
0x97: {  	_ =	swait.ge [sflag:s22], $0x4000  }
0x98: {  	[sflag:s22] =	ssyncset.done $0x0  }
0x99: {  	s30 =	simm.s32 $0x0;
	s31 =	simm.s32 $0x0;
	[sflag:s22] =	ssyncadd.s32 $0xFFFFC000  }
.LBB2_38:
0x9a: {  	s31 =	sadd.s32 $0x1, s31  }
0x9b: {  	p1 =	sne.s32 s31, s7  }
.Ltmp16:
0x9c: {  	_ = 	snop;
	(pc) =	sbr.rel @!p1 .LBB2_39-.Ltmp16, $2  }
0x9d: {  	_ =	sdelay $0x2  }
0x9e: {  	s30 =	sadd.s32 $0x1, s30  }
.LBB2_28:
0x9f: {  	s0 =	sand.u32 $0x3, s31  }
0xa0: {  	s0 =	sadd.s32 $0x1, s0  }
0xa1: {  	_ =	swait.ge [sflag:s0], $0x1000  }
0xa2: {  	[sflag:s0] =	ssyncset.done $0x0  }
0xa3: {  	[sflag:s0] =	ssyncadd.s32 $0xFFFFF000  }
0xa4: {  	_ =	swait.ge [sflag:s0], $0x1000  }
0xa5: {  	[sflag:s0] =	ssyncset.done $0x0  }
0xa6: {  	[sflag:s0] =	ssyncadd.s32 $0xFFFFF000  }
0xa7: {  	s4 =	sshll.u32 s30, $0x7;
	_ =	swait.ge [sflag:s0], $0x1000  }
0xa8: {  	s4 =	sand.u32 $0x180, s4;
	[sflag:s0] =	ssyncset.done $0x0  }
0xa9: {  	s26 =	sor.u32 $0xC040, s4;
	[sflag:s0] =	ssyncadd.s32 $0xFFFFF000  }
0xaa: {  	v1 =	vld [tilespmem:s26+$0x30]  }
0xab: {  	v2 =	vld [tilespmem:s26+$0xFFFFFFD0]  }
0xac: {  	v3 =	vld [tilespmem:s26+$0xFFFFFFE0]  }
0xad: {  	v4 =	vld [tilespmem:s26+$0xFFFFFFF0]  }
0xae: {  	v5 =	vld [tilespmem:s26+$0x0]  }
0xaf: {  	s22 =	sor.u32 $0x8040, s4;
	v6 =	vld [tilespmem:s26+$0x10]  }
0xb0: {  	s23 =	sor.u32 $0x10040, s4;
	v7 =	vld [tilespmem:s22+$0x30]  }
0xb1: {  	v8 =	vld [tilespmem:s23+$0x30]  }
0xb2: {  	v9 =	vld [tilespmem:s26+$0xFFFFFFC0]  }
0xb3: {  	v10 =	vld [tilespmem:s26+$0x20]  }
0xb4: {  	v57 =	vld [tilespmem:s22+$0xFFFFFFC0]  }
0xb5: {  	v58 =	vld [tilespmem:s23+$0xFFFFFFC0]  }
0xb6: {  	v59 =	vld [tilespmem:s23+$0xFFFFFFD0]  }
0xb7: {  	v11 =	vld [tilespmem:s23+$0xFFFFFFE0]  }
0xb8: {  	v1 =	vld.idx.msk [tilespmem:v1+s5+$0x0], $0xffff  }
0xb9: {  	v12 =	vld [tilespmem:s22+$0xFFFFFFD0]  }
0xba: {  	v13 =	vld [tilespmem:s23+$0xFFFFFFF0]  }
0xbb: {  	v14 =	vld [tilespmem:s23+$0x0]  }
0xbc: {  	v60 =	vld [tilespmem:s22+$0xFFFFFFE0]  }
0xbd: {  	v61 =	vld [tilespmem:s22+$0xFFFFFFF0];
	v1 =	vmul.f32 v8, v1  }
0xbe: {  	v62 =	vld [tilespmem:s22+$0x10]  }
0xbf: {  	[tilespmem:v7+s28+$0x0] =	vst.idx.add.f32.msk $0xffff, v1  }
0xc0: {  	v1 =	vld.idx.msk [tilespmem:v9+s5+$0x0], $0xffff  }
0xc1: {  	v63 =	vld [tilespmem:s23+$0x10]  }
0xc2: {  	v15 =	vld [tilespmem:s23+$0x20]  }
0xc3: {  	v2 =	vld.idx.msk [tilespmem:v2+s5+$0x0], $0xffff  }
0xc4: {  	v3 =	vld.idx.msk [tilespmem:v3+s5+$0x0], $0xffff  }
0xc5: {  	v4 =	vld.idx.msk [tilespmem:v4+s5+$0x0], $0xffff;
	v1 =	vmul.f32 v58, v1  }
0xc6: {  	v6 =	vld.idx.msk [tilespmem:v6+s5+$0x0], $0xffff  }
0xc7: {  	[tilespmem:v57+s28+$0x0] =	vst.idx.add.f32.msk $0xffff, v1  }
0xc8: {  	v1 =	vmul.f32 v59, v2;
	v2 =	vld [tilespmem:s22+$0x0]  }
0xc9: {  	v5 =	vld.idx.msk [tilespmem:v5+s5+$0x0], $0xffff;
	v3 =	vmul.f32 v11, v3  }
0xca: {  	v10 =	vld.idx.msk [tilespmem:v10+s5+$0x0], $0xffff;
	v4 =	vmul.f32 v13, v4  }
0xcb: {  	[tilespmem:v60+s28+$0x0] =	vst.idx.add.f32.msk $0xffff, v3;
	v3 =	vmul.f32 v63, v6  }
0xcc: {  	[tilespmem:v61+s28+$0x0] =	vst.idx.add.f32.msk $0xffff, v4  }
0xcd: {  	[tilespmem:v62+s28+$0x0] =	vst.idx.add.f32.msk $0xffff, v3  }
0xce: {  	v5 =	vmul.f32 v14, v5;
	[tilespmem:v12+s28+$0x0] =	vst.idx.add.f32.msk $0xffff, v1  }
0xcf: {  	s25 =	simm.s32 $0x0;
	s6 =	sor.u32 $0x10000, s4;
	v1 =	vld [tilespmem:s22+$0x20]  }
0xd0: {  	s21 =	sor.u32 $0xC000, s4;
	s24 =	sor.u32 $0x8000, s4;
	s4 =	sadd.s32 $0x200, s26;
	[tilespmem:v2+s28+$0x0] =	vst.idx.add.f32.msk $0xffff, v5;
	v2 =	vmul.f32 v15, v10  }
.LBB2_29:
0xd1: {  	v3 =	vld [tilespmem:s4+$0x30];
	s25 =	sadd.s32 $0x8, s25  }
0xd2: {  	v4 =	vld [tilespmem:s4+$0xFFFFFFD0];
	p1 =	slt.u32 s25, $0xF8  }
0xd3: {  	v5 =	vld [tilespmem:s4+$0xFFFFFFE0]  }
0xd4: {  	v6 =	vld [tilespmem:s4+$0xFFFFFFF0]  }
0xd5: {  	v7 =	vld [tilespmem:s4+$0x0]  }
0xd6: {  	v8 =	vld [tilespmem:s4+$0x10]  }
0xd7: {  	s22 =	sadd.s32 $0x200, s22;
	v9 =	vld [tilespmem:s4+$0x20]  }
0xd8: {  	v10 =	vld [tilespmem:s22+$0x30]  }
0xd9: {  	s23 =	sadd.s32 $0x200, s23;
	v3 =	vld.idx.msk [tilespmem:v3+s5+$0x0], $0xffff  }
0xda: {  	v11 =	vld [tilespmem:s23+$0x30]  }
0xdb: {  	v12 =	vld [tilespmem:s4+$0xFFFFFFC0]  }
0xdc: {  	v4 =	vld.idx.msk [tilespmem:v4+s5+$0x0], $0xffff  }
0xdd: {  	v5 =	vld.idx.msk [tilespmem:v5+s5+$0x0], $0xffff  }
0xde: {  	v6 =	vld.idx.msk [tilespmem:v6+s5+$0x0], $0xffff  }
0xdf: {  	v7 =	vld.idx.msk [tilespmem:v7+s5+$0x0], $0xffff;
	v3 =	vmul.f32 v11, v3  }
0xe0: {  	v8 =	vld.idx.msk [tilespmem:v8+s5+$0x0], $0xffff  }
0xe1: {  	[tilespmem:v10+s28+$0x0] =	vst.idx.add.f32.msk $0xffff, v3  }
0xe2: {  	v3 =	vld.idx.msk [tilespmem:v9+s5+$0x0], $0xffff  }
0xe3: {  	v9 =	vld.idx.msk [tilespmem:v12+s5+$0x0], $0xffff  }
0xe4: {  	v10 =	vld [tilespmem:s23+$0xFFFFFFC0]  }
0xe5: {  	v11 =	vld [tilespmem:s23+$0xFFFFFFD0]  }
0xe6: {  	v12 =	vld [tilespmem:s23+$0xFFFFFFE0]  }
0xe7: {  	v13 =	vld [tilespmem:s23+$0xFFFFFFF0]  }
0xe8: {  	v14 =	vld [tilespmem:s23+$0x0]  }
0xe9: {  	v9 =	vmul.f32 v10, v9;
	v10 =	vld [tilespmem:s23+$0x10]  }
0xea: {  	v4 =	vmul.f32 v11, v4;
	v11 =	vld [tilespmem:s23+$0x20]  }
0xeb: {  	v15 =	vld [tilespmem:s22+$0xFFFFFFC0];
	v5 =	vmul.f32 v12, v5  }
0xec: {  	v12 =	vld [tilespmem:s22+$0xFFFFFFD0];
	v6 =	vmul.f32 v13, v6  }
0xed: {  	v13 =	vld [tilespmem:s22+$0xFFFFFFE0];
	v7 =	vmul.f32 v14, v7  }
0xee: {  	v14 =	vld [tilespmem:s22+$0xFFFFFFF0];
	v8 =	vmul.f32 v10, v8  }
0xef: {  	v10 =	vld [tilespmem:s22+$0x0];
	v3 =	vmul.f32 v11, v3  }
0xf0: {  	v11 =	vld [tilespmem:s22+$0x10]  }
0xf1: {  	v16 =	vld [tilespmem:s22+$0x20]  }
0xf2: {  	[tilespmem:v1+s28+$0x0] =	vst.idx.add.f32.msk $0xffff, v2;
	v2 =	vmov v3  }
0xf3: {  	[tilespmem:v15+s28+$0x0] =	vst.idx.add.f32.msk $0xffff, v9  }
.Ltmp17:
0xf4: {  	[tilespmem:v12+s28+$0x0] =	vst.idx.add.f32.msk $0xffff, v4;
	(pc) =	sbr.rel @p1 .LBB2_29-.Ltmp17, $4  }
0xf5: {  	[tilespmem:v13+s28+$0x0] =	vst.idx.add.f32.msk $0xffff, v5  }
0xf6: {  	[tilespmem:v14+s28+$0x0] =	vst.idx.add.f32.msk $0xffff, v6;
	v1 =	vmov v16  }
0xf7: {  	[tilespmem:v10+s28+$0x0] =	vst.idx.add.f32.msk $0xffff, v7  }
0xf8: {  	s4 =	sadd.s32 $0x200, s4;
	[tilespmem:v11+s28+$0x0] =	vst.idx.add.f32.msk $0xffff, v8  }
0xf9: {  	s4 =	sadd.s32 $0x4, s31  }
0xfa: {  	p1 =	sge.u32 s4, s7  }
.Ltmp18:
0xfb: {  	_ = 	snop;
	(pc) =	sbr.rel @p1 .LBB2_38-.Ltmp18, $2  }
0xfc: {  	_ =	sdelay $0x2  }
0xfd: {  	[tilespmem:v1+s28+$0x0] =	vst.idx.add.f32.msk $0xffff, v2  }
0xfe: {  	s4 =	sadd.s32 s8, s4  }
0xff: {  	s4 =	sshll.u32 s4, $0x9  }
0x100: {  	s22 =	sadd.s32 s1, s4  }
0x101: {  	s23 =	simm.s32 $0x10;
	s25 =	sadd.s32 $0x200, s24;
	s26 =	sadd.s32 $0x0, s22  }
.LBB2_32:
0x102: {  	[tilespmem:s24], [sflag:s0] =	stream.linear.gather [hbm4b:s26+s5], $0x80, $0x38;
	[tilespmem:$0x15200] =	vst v63  }
0x103: {  	s26 =	smov.u32 s23;
	s24 =	smov.u32 s25;
	p1 =	sne.s32 s23, $0x1F0  }
.Ltmp19:
0x104: {  	s23 =	sadd.s32 $0x10, s23;
	(pc) =	sbr.rel @p1 .LBB2_32-.Ltmp19, $2  }
0x105: {  	_ =	sdelay $0x2  }
0x106: {  	s25 =	sadd.s32 $0x200, s25;
	s26 =	sadd.s32 s26, s22  }
0x107: {  	[tilespmem:s24], [sflag:s0] =	stream.linear.gather [hbm4b:s26+s5], $0x80, $0x38;
	[tilespmem:$0x15200] =	vst v63  }
0x108: {  	s22 =	sadd.s32 s2, s4  }
0x109: {  	s23 =	simm.s32 $0x10;
	s24 =	sadd.s32 $0x200, s21;
	s25 =	sadd.s32 $0x0, s22  }
.LBB2_34:
0x10a: {  	[tilespmem:s21], [sflag:s0] =	stream.linear.gather [hbm4b:s25+s5], $0x80, $0x38;
	[tilespmem:$0x15200] =	vst v63  }
0x10b: {  	s25 =	smov.u32 s23;
	s21 =	smov.u32 s24;
	p1 =	sne.s32 s23, $0x1F0  }
.Ltmp20:
0x10c: {  	s23 =	sadd.s32 $0x10, s23;
	(pc) =	sbr.rel @p1 .LBB2_34-.Ltmp20, $2  }
0x10d: {  	_ =	sdelay $0x2  }
0x10e: {  	s24 =	sadd.s32 $0x200, s24;
	s25 =	sadd.s32 s25, s22  }
0x10f: {  	[tilespmem:s21], [sflag:s0] =	stream.linear.gather [hbm4b:s25+s5], $0x80, $0x38;
	[tilespmem:$0x15200] =	vst v63  }
0x110: {  	s4 =	sadd.s32 s3, s4  }
0x111: {  	s21 =	simm.s32 $0x10;
	s22 =	sadd.s32 $0x200, s6;
	s23 =	sadd.s32 $0x0, s4  }
.LBB2_36:
0x112: {  	[tilespmem:s6], [sflag:s0] =	stream.linear.gather [hbm4b:s23+s5], $0x80, $0x38;
	[tilespmem:$0x15200] =	vst v63  }
0x113: {  	s23 =	smov.u32 s21;
	s6 =	smov.u32 s22;
	p1 =	sne.s32 s21, $0x1F0  }
.Ltmp21:
0x114: {  	s21 =	sadd.s32 $0x10, s21;
	(pc) =	sbr.rel @p1 .LBB2_36-.Ltmp21, $2  }
0x115: {  	_ =	sdelay $0x2  }
0x116: {  	s22 =	sadd.s32 $0x200, s22;
	s23 =	sadd.s32 s23, s4  }
.Ltmp22:
0x117: {  	(pc) =	sbr.rel .LBB2_38-.Ltmp22, $2  }
0x118: {  	_ =	sdelay $0x2  }
0x119: {  	[tilespmem:s6], [sflag:s0] =	stream.linear.gather [hbm4b:s23+s5], $0x80, $0x38;
	[tilespmem:$0x15200] =	vst v63  }
.LBB2_39:
0x11a: {  	s0 =	rddreg [dreg:$0x6];
	s4 =	simm.s32 $0x14000;
	s22 =	simm.s32 $0x5  }
0x11b: {  	[tilespmem:s4], [sflag:$0x5] =	stream.linear.gather [hbm4b:s0+s5], $0x5C0, $0x38;
	[tilespmem:$0x15200] =	vst v63  }
0x11c: {  	_ =	swait.ge [sflag:s22], $0x5C0  }
0x11d: {  	[sflag:s22] =	ssyncset.done $0x0  }
0x11e: {  	s26 =	simm.s32 $0x14600;
	s25 =	rddreg [dreg:$0x7];
	[sflag:s22] =	ssyncadd.s32 $0xFFFFFA40  }
0x11f: {  	[tilespmem:s26], [sflag:$0x5] =	stream.linear.gather [hbm4b:s25+s5], $0x5C0, $0x38;
	[tilespmem:$0x15200] =	vst v63  }
0x120: {  	_ =	swait.ge [sflag:s22], $0x5C0  }
0x121: {  	s31 =	simm.s32 $0x14C00;
	[sflag:s22] =	ssyncset.done $0x0  }
.Ltmp23:
0x122: {  	s30 =	rddreg [dreg:$0x8];
	[sflag:s22] =	ssyncadd.s32 $0xFFFFFA40;
	(pc) =	sbr.rel @!p0 .LBB2_43-.Ltmp23, $4  }
0x123: {  	[tilespmem:s31], [sflag:$0x5] =	stream.linear.gather [hbm4b:s30+s5], $0x5C0, $0x38;
	[tilespmem:$0x15200] =	vst v63  }
0x124: {  	_ =	swait.ge [sflag:s22], $0x5C0  }
0x125: {  	[sflag:s22] =	ssyncset.done $0x0  }
0x126: {  	[sflag:s22] =	ssyncadd.s32 $0xFFFFFA40  }
0x127: {  	s0 =	simm.s32 $0x14620  }
0x128: {  	v1 =	vld [tilespmem:s0+$0x10]  }
0x129: {  	v2 =	vld [tilespmem:s0+$0xFFFFFFF0]  }
0x12a: {  	v3 =	vld [tilespmem:s0+$0xFFFFFFE0]  }
0x12b: {  	s6 =	simm.s32 $0x14020;
	v4 =	vld [tilespmem:s0+$0x0]  }
0x12c: {  	s31 =	simm.s32 $0x14C20;
	v5 =	vld [tilespmem:s6+$0x10]  }
0x12d: {  	s4 =	simm.s32 $0x14660;
	v6 =	vld [tilespmem:s31+$0x10]  }
0x12e: {  	v10 =	vld [tilespmem:s4+$0xFFFFFFF0]  }
0x12f: {  	v8 =	vld [tilespmem:s31+$0xFFFFFFF0]  }
0x130: {  	v9 =	vld [tilespmem:s6+$0xFFFFFFF0]  }
0x131: {  	v1 =	vld.idx.msk [tilespmem:v1+s5+$0x0], $0xffff  }
0x132: {  	v2 =	vld.idx.msk [tilespmem:v2+s5+$0x0], $0xffff  }
0x133: {  	v3 =	vld.idx.msk [tilespmem:v3+s5+$0x0], $0xffff  }
0x134: {  	v7 =	vld.idx.msk [tilespmem:v4+s5+$0x0], $0xffff  }
0x135: {  	v4 =	vld [tilespmem:s31+$0xFFFFFFE0]  }
0x136: {  	v10 =	vld.idx.msk [tilespmem:v10+s5+$0x0], $0xffff;
	v1 =	vmul.f32 v6, v1  }
0x137: {  	v6 =	vld [tilespmem:s6+$0xFFFFFFE0]  }
0x138: {  	[tilespmem:v5+s28+$0x0] =	vst.idx.add.f32.msk $0xffff, v1  }
0x139: {  	v1 =	vld [tilespmem:s4+$0x10]  }
0x13a: {  	v3 =	vmul.f32 v4, v3;
	v4 =	vld [tilespmem:s4+$0x0]  }
0x13b: {  	v2 =	vmul.f32 v8, v2;
	v8 =	vld [tilespmem:s4+$0xFFFFFFE0]  }
0x13c: {  	v5 =	vld [tilespmem:s31+$0x0]  }
0x13d: {  	s0 =	simm.s32 $0x14060;
	[tilespmem:v9+s28+$0x0] =	vst.idx.add.f32.msk $0xffff, v2  }
0x13e: {  	v2 =	vld [tilespmem:s0+$0x10];
	s4 =	simm.s32 $0x14C60  }
0x13f: {  	v9 =	vld [tilespmem:s4+$0x10]  }
0x140: {  	[tilespmem:v6+s28+$0x0] =	vst.idx.add.f32.msk $0xffff, v3  }
0x141: {  	v6 =	vld.idx.msk [tilespmem:v1+s5+$0x0], $0xffff  }
0x142: {  	v12 =	vld [tilespmem:s4+$0xFFFFFFE0]  }
0x143: {  	v11 =	vld.idx.msk [tilespmem:v8+s5+$0x0], $0xffff  }
0x144: {  	v3 =	vld.idx.msk [tilespmem:v4+s5+$0x0], $0xffff  }
0x145: {  	v8 =	vld [tilespmem:s4+$0x0]  }
0x146: {  	v4 =	vmul.f32 v9, v6;
	v9 =	vld [tilespmem:s4+$0xFFFFFFF0]  }
0x147: {  	v1 =	vld [tilespmem:s6+$0x0]  }
0x148: {  	[tilespmem:v2+s28+$0x0] =	vst.idx.add.f32.msk $0xffff, v4  }
0x149: {  	v4 =	vld [tilespmem:s0+$0xFFFFFFE0]  }
0x14a: {  	v2 =	vmul.f32 v5, v7;
	v5 =	vld [tilespmem:s0+$0xFFFFFFF0]  }
0x14b: {  	s21 =	simm.s32 $0x146A0;
	s6 =	simm.s32 $0x4;
	v6 =	vmul.f32 v12, v11;
	v7 =	vmul.f32 v9, v10;
	v9 =	vld [tilespmem:s0+$0x0]  }
.LBB2_41:
0x14c: {  	v10 =	vld [tilespmem:s21+$0x10];
	s6 =	sadd.s32 $0x4, s6;
	v3 =	vmul.f32 v8, v3  }
0x14d: {  	v8 =	vld [tilespmem:s21+$0xFFFFFFF0];
	p1 =	slt.u32 s6, $0x58  }
0x14e: {  	v11 =	vld [tilespmem:s21+$0x0]  }
0x14f: {  	v12 =	vld [tilespmem:s21+$0xFFFFFFE0]  }
0x150: {  	[tilespmem:v1+s28+$0x0] =	vst.idx.add.f32.msk $0xffff, v2;
	v2 =	vmov v3;
	v1 =	vmov v9  }
0x151: {  	[tilespmem:v4+s28+$0x0] =	vst.idx.add.f32.msk $0xffff, v6  }
0x152: {  	s0 =	sadd.s32 $0x40, s0;
	[tilespmem:v5+s28+$0x0] =	vst.idx.add.f32.msk $0xffff, v7  }
0x153: {  	v4 =	vld [tilespmem:s0+$0x10]  }
0x154: {  	s4 =	sadd.s32 $0x40, s4;
	v5 =	vld.idx.msk [tilespmem:v10+s5+$0x0], $0xffff  }
0x155: {  	v6 =	vld [tilespmem:s4+$0x10]  }
0x156: {  	v7 =	vld.idx.msk [tilespmem:v8+s5+$0x0], $0xffff  }
0x157: {  	v9 =	vld.idx.msk [tilespmem:v12+s5+$0x0], $0xffff  }
0x158: {  	v3 =	vld.idx.msk [tilespmem:v11+s5+$0x0], $0xffff  }
0x159: {  	v10 =	vld [tilespmem:s4+$0xFFFFFFE0]  }
0x15a: {  	v11 =	vld [tilespmem:s4+$0xFFFFFFF0];
	v5 =	vmul.f32 v6, v5  }
.Ltmp24:
0x15b: {  	v8 =	vld [tilespmem:s4+$0x0];
	(pc) =	sbr.rel @p1 .LBB2_41-.Ltmp24, $4  }
0x15c: {  	[tilespmem:v4+s28+$0x0] =	vst.idx.add.f32.msk $0xffff, v5  }
0x15d: {  	v4 =	vld [tilespmem:s0+$0xFFFFFFE0]  }
0x15e: {  	v6 =	vmul.f32 v10, v9;
	v5 =	vld [tilespmem:s0+$0xFFFFFFF0]  }
0x15f: {  	s21 =	sadd.s32 $0x40, s21;
	v7 =	vmul.f32 v11, v7;
	v9 =	vld [tilespmem:s0+$0x0]  }
0x160: {  	_ =	sdelay $0x3  }
.Ltmp25:
0x161: {  	_ = 	snop;
	(pc) =	sbr.rel .LBB2_43-.Ltmp25, $4  }
0x162: {  	[tilespmem:v1+s28+$0x0] =	vst.idx.add.f32.msk $0xffff, v2  }
0x163: {  	v1 =	vmul.f32 v8, v3;
	[tilespmem:v4+s28+$0x0] =	vst.idx.add.f32.msk $0xffff, v6  }
0x164: {  	[tilespmem:v5+s28+$0x0] =	vst.idx.add.f32.msk $0xffff, v7  }
0x165: {  	[tilespmem:v9+s28+$0x0] =	vst.idx.add.f32.msk $0xffff, v1  }
.LBB2_44:
0x166: {  	_ =	sfence.sel $0x180000  }
0x167: {  	[bflag:$0x0] =	sbarrier.arrive $0xFFFF  }
0x168: {  	_ =	strace $0x90000047  }
0x169: {  	s0 =	stileid.u32;
	[bflag:$0x2] =	sbarrier.arrive $0xFFFF  }
0x16a: {  	p0 =	sne.s32 s0, $0x0;
	s0 =	rddreg [dreg:$0x5]  }
0x16b: {  	s0 =	sadd.s32 @!p0 $0x100000, s0  }
0x16c: {  	[sflag:s0] =	ssyncadd.tile.s32 @!p0 $0x1;
	_ =	shalt  }
.Lfunc_end2:
_tile_overlayer_lowered:
.L_overlay_start_2:
0x16d: {  	(tag) =	ssettag $0x2  }
0x16e: {  	s0 =	rddreg [dreg:$0x0];
	s2 =	stileid.u32  }
0x16f: {  	s1 =	rddreg [dreg:$0x1];
	p0 =	sne.s32 s2, $0x0  }
0x170: {  	s3 =	rddreg [dreg:$0x2];
	[bflag:$0x3] =	sbarrier.arrive $0xFFFF;
	s2 =	simm.s32 @!p0 $0x1C06  }
0x171: {  	[timem:s3], [sflag:s2] =	dma.local @!p0 [hbm:s0], s1  }
0x172: {  	s0 =	simm.s32 @!p0 $0x6  }
0x173: {  	_ =	swait.ge @!p0 [sflag:s0], s1  }
0x174: {  	s1 =	ssub.s32 @!p0 $0x0, s1;
	[sflag:s0] =	ssyncset.done @!p0 $0x0  }
0x175: {  	[sflag:s0] =	ssyncadd.s32 @!p0 s1  }
0x176: {  	[bflag:$0x3] =	sbarrier.arrive $0xFFFF  }
0x177: {  	_ =	shalt  }

</sc_bundles>
